<compile_context>
chip_gen: v7x
topology: tpu7x:2x2x1
jax: 0.10.2.dev20260603
libtpu: 0.0.44.dev20260713+nightly
codegen_flags: <defaults>
</compile_context>

<pallas_src>
import functools

import jax
import jax.numpy as jnp
from jax import lax
from jax.experimental import pallas as pl
from jax.experimental.pallas import tpu as pltpu
from jax.experimental.pallas import tpu_sc as plsc

D_OUT = 128
HALF = 64
GRID = 256
NC, NS = 2, 16
NW = NC * NS
SPOTS = 16 * 4096
PER_W = SPOTS // NW
CHUNK = 128
NCHUNK = PER_W // CHUNK


def _tables_body(row_ref, col_ref, w_ref, b_ref, tr_ref, tc_ref):
    w = w_ref[...]
    tr = lax.dot_general(row_ref[...], w[:, :HALF],
                         (((1,), (1,)), ((), ())),
                         preferred_element_type=jnp.float32)
    tr_ref[...] = tr + b_ref[...]
    tc_ref[...] = lax.dot_general(col_ref[...], w[:, HALF:],
                                  (((1,), (1,)), ((), ())),
                                  preferred_element_type=jnp.float32)


def _make_tables(row_embed, col_embed, w, b):
    return pl.pallas_call(
        _tables_body,
        out_shape=(
            jax.ShapeDtypeStruct((GRID, D_OUT), jnp.float32),
            jax.ShapeDtypeStruct((GRID, D_OUT), jnp.float32),
        ),
    )(row_embed, col_embed, w, b.reshape(1, D_OUT))


_sc_mesh = plsc.VectorSubcoreMesh(core_axis_name="c", subcore_axis_name="s")


@functools.partial(
    pl.kernel,
    out_type=jax.ShapeDtypeStruct((SPOTS, D_OUT), jnp.float32),
    mesh=_sc_mesh,
    scratch_types=[
        pltpu.VMEM((NCHUNK, CHUNK), jnp.int32),
        pltpu.VMEM((NCHUNK, CHUNK), jnp.int32),
        pltpu.VMEM((CHUNK, D_OUT), jnp.float32),
        pltpu.VMEM((CHUNK, D_OUT), jnp.float32),
        pltpu.VMEM((CHUNK, D_OUT), jnp.float32),
        pltpu.VMEM((CHUNK, D_OUT), jnp.float32),
        pltpu.VMEM_SHARED((GRID, D_OUT), jnp.float32),
        pltpu.VMEM_SHARED((GRID, D_OUT), jnp.float32),
        pltpu.SemaphoreType.DMA,
        pltpu.SemaphoreType.DMA,
        pltpu.SemaphoreType.DMA,
        pltpu.SemaphoreType.DMA,
        pltpu.SemaphoreType.DMA,
        pltpu.SemaphoreType.DMA,
        pltpu.SemaphoreType.DMA,
        pltpu.SemaphoreType.DMA,
        pltpu.SemaphoreType.DMA,
        pltpu.SemaphoreType.DMA,
        pltpu.SemaphoreType.DMA,
        pltpu.SemaphoreType.DMA,
    ],
)
def _sc_lookup(tr_hbm, tc_hbm, rows_hbm, cols_hbm, out_hbm,
               idxr, idxc, buf0, buf1, buf2, buf3,
               tr_sp, tc_sp, semr0, semr1, semr2, semr3,
               sema0, sema1, sema2, sema3, semo0, semo1, semo2, semo3):
    wid = lax.axis_index("s") * NC + lax.axis_index("c")
    base = wid * PER_W
    buf = (buf0, buf1, buf2, buf3)
    semr = (semr0, semr1, semr2, semr3)
    sema = (sema0, sema1, sema2, sema3)
    semo = (semo0, semo1, semo2, semo3)
    @pl.when(lax.axis_index("s") == 0)
    def _stage():
        pltpu.sync_copy(tr_hbm, tr_sp)
        pltpu.sync_copy(tc_hbm, tc_sp)

    pltpu.sync_copy(rows_hbm.at[wid], idxr)
    pltpu.sync_copy(cols_hbm.at[wid], idxc)
    plsc.subcore_barrier()
    gr = [pltpu.async_copy(tr_sp.at[idxr.at[x]], buf[x], semr[x])
          for x in range(3)] + [None]
    ga = [None, None, None, None]
    for x in range(2):
        gr[x].wait()
        ga[x] = pltpu.async_copy(tc_sp.at[idxc.at[x]], buf[x], sema[x],
                                 add=True)
    oc = [None, None, None, None]
    for j in range(NCHUNK):
        p = j % 4
        ga[p].wait()
        oc[p] = pltpu.async_copy(
            buf[p], out_hbm.at[pl.ds(base + j * CHUNK, CHUNK)], semo[p])
        if j + 2 < NCHUNK:
            pn = (j + 2) % 4
            gr[pn].wait()
            ga[pn] = pltpu.async_copy(tc_sp.at[idxc.at[j + 2]], buf[pn],
                                      sema[pn], add=True)
        if j + 3 < NCHUNK:
            q = (j + 3) % 4
            if oc[q] is not None:
                oc[q].wait()
            gr[q] = pltpu.async_copy(tr_sp.at[idxr.at[j + 3]], buf[q], semr[q])
    for p in range(4):
        if oc[p] is not None:
            oc[p].wait()


def kernel(coords, row_embed, col_embed, W, b):
    batch, n_spots, _ = coords.shape
    tr, tc = _make_tables(row_embed, col_embed, W, b)
    cc = jnp.clip(coords.astype(jnp.int32), 0, GRID - 1)
    rows = cc[..., 0].reshape(NW, NCHUNK, CHUNK)
    cols = cc[..., 1].reshape(NW, NCHUNK, CHUNK)
    out = _sc_lookup(tr, tc, rows, cols)
    return out.reshape(batch, n_spots, D_OUT)

# --- scband reference (transcript-rebuilt; emitter-appended) ---
"""Pipeline reference for scband-spatial-positional-encoding-3478923510054 (READ-ONLY COPY).

The authoritative reference and input builder live on the scoring server;
editing this copy changes nothing except your own understanding.
"""

import jax, jax.numpy as jnp
import numpy as np

D_MODEL = 128
MAX_GRID = 256
BATCH = 16
N_SPOTS = 4096

def setup_inputs(seed: int = 0) -> dict:
    key = jax.random.key(seed)
    k1, k2, k3, k4, k5 = jax.random.split(key, 5)
    coords = jax.random.randint(k1, (BATCH, N_SPOTS, 2), 0, MAX_GRID, dtype=jnp.int64 if jax.config.jax_enable_x64 else jnp.int32)
    half = D_MODEL // 2
    row_embed = jax.random.normal(k2, (MAX_GRID, half), dtype=jnp.float32)
    col_embed = jax.random.normal(k3, (MAX_GRID, half), dtype=jnp.float32)
    bound = 1.0 / np.sqrt(D_MODEL)
    W = jax.random.uniform(k4, (D_MODEL, D_MODEL), minval=-bound, maxval=bound, dtype=jnp.float32)
    b = jax.random.uniform(k5, (D_MODEL,), minval=-bound, maxval=bound, dtype=jnp.float32)
    return {"coords": coords, "row_embed": row_embed, "col_embed": col_embed, "W": W, "b": b}

def reference(coords, row_embed, col_embed, W, b):
    rows = jnp.clip(coords[..., 0], 0, MAX_GRID - 1)
    cols = jnp.clip(coords[..., 1], 0, MAX_GRID - 1)
    pe = jnp.concatenate([jnp.take(row_embed, rows, axis=0), jnp.take(col_embed, cols, axis=0)], axis=-1)
    return pe @ W.T + b

if __name__ == "__main__":
    import jax
    _d = setup_inputs()
    print(jax.jit(kernel)(*tuple(_d.values())))

</pallas_src>

<mosaic_0001>
#map = affine_map<(d0, d1) -> (0, 0)>
#map1 = affine_map<(d0, d1) -> (0, 0, 0)>
module attributes {stable_mosaic.version = 14 : i64} {
  func.func @_sc_lookup(%arg0: i32, %arg1: i32, %arg2: memref<256x128xf32, #tpu.memory_space<hbm>>, %arg3: memref<256x128xf32, #tpu.memory_space<hbm>>, %arg4: memref<32x16x128xi32, #tpu.memory_space<hbm>>, %arg5: memref<32x16x128xi32, #tpu.memory_space<hbm>>, %arg6: memref<65536x128xf32, #tpu.memory_space<hbm>>, %arg7: memref<16x128xi32, #tpu.memory_space<vmem>>, %arg8: memref<16x128xi32, #tpu.memory_space<vmem>>, %arg9: memref<128x128xf32, #tpu.memory_space<vmem>>, %arg10: memref<128x128xf32, #tpu.memory_space<vmem>>, %arg11: memref<128x128xf32, #tpu.memory_space<vmem>>, %arg12: memref<128x128xf32, #tpu.memory_space<vmem>>, %arg13: memref<256x128xf32, #tpu.memory_space<vmem_shared>>, %arg14: memref<256x128xf32, #tpu.memory_space<vmem_shared>>, %arg15: memref<!tpu.dma_semaphore, #tpu.memory_space<semaphore_mem>>, %arg16: memref<!tpu.dma_semaphore, #tpu.memory_space<semaphore_mem>>, %arg17: memref<!tpu.dma_semaphore, #tpu.memory_space<semaphore_mem>>, %arg18: memref<!tpu.dma_semaphore, #tpu.memory_space<semaphore_mem>>, %arg19: memref<!tpu.dma_semaphore, #tpu.memory_space<semaphore_mem>>, %arg20: memref<!tpu.dma_semaphore, #tpu.memory_space<semaphore_mem>>, %arg21: memref<!tpu.dma_semaphore, #tpu.memory_space<semaphore_mem>>, %arg22: memref<!tpu.dma_semaphore, #tpu.memory_space<semaphore_mem>>, %arg23: memref<!tpu.dma_semaphore, #tpu.memory_space<semaphore_mem>>, %arg24: memref<!tpu.dma_semaphore, #tpu.memory_space<semaphore_mem>>, %arg25: memref<!tpu.dma_semaphore, #tpu.memory_space<semaphore_mem>>, %arg26: memref<!tpu.dma_semaphore, #tpu.memory_space<semaphore_mem>>) attributes {dimension_semantics = [#tpu.dimension_semantics<core_parallel>, #tpu.dimension_semantics<subcore_parallel>], iteration_bounds = array<i64: 2, 16>, scalar_prefetch = 0 : i64, scratch_operands = 20 : i64, tpu.core_type = #tpu.core_type<sc_vector_subcore>, window_params = [{transform_indices = #map}, {transform_indices = #map}, {transform_indices = #map1}, {transform_indices = #map1}, {transform_indices = #map}]} {
    %mul3A = arith.constant 2 : i32
    %mul3A_0 = arith.muli %arg1, %mul3A : i32
    %add3A = arith.addi %mul3A_0, %arg0 : i32
    %mul3A_1 = arith.constant 2048 : i32
    %mul3A_2 = arith.muli %add3A, %mul3A_1 : i32
    %eq3A = arith.constant 0 : i32
    %eq3A_3 = arith.cmpi eq, %arg1, %eq3A : i32
    %convert_element_type3A = arith.extui %eq3A_3 : i1 to i32
    %cond3A = arith.constant 0 : i32
    %cond3A_4 = arith.cmpi ne, %convert_element_type3A, %cond3A : i32
    scf.if %cond3A_4 {
      "tpu.region"() ({
        %run_scoped3A = tpu.sem_alloc : memref<!tpu.dma_semaphore, #tpu.memory_space<semaphore_mem>>
        tpu.enqueue_dma source(%arg2 : memref<256x128xf32, #tpu.memory_space<hbm>>) target(%arg13 : memref<256x128xf32, #tpu.memory_space<vmem_shared>>) target_semaphore(%run_scoped3A : memref<!tpu.dma_semaphore, #tpu.memory_space<semaphore_mem>>)
        tpu.wait_dma2 semaphore(%run_scoped3A : memref<!tpu.dma_semaphore, #tpu.memory_space<semaphore_mem>>) src(%arg2 : memref<256x128xf32, #tpu.memory_space<hbm>>) dst(%arg13 : memref<256x128xf32, #tpu.memory_space<vmem_shared>>)
        tpu.yield
      }) : () -> ()
      "tpu.region"() ({
        %run_scoped3A = tpu.sem_alloc : memref<!tpu.dma_semaphore, #tpu.memory_space<semaphore_mem>>
        tpu.enqueue_dma source(%arg3 : memref<256x128xf32, #tpu.memory_space<hbm>>) target(%arg14 : memref<256x128xf32, #tpu.memory_space<vmem_shared>>) target_semaphore(%run_scoped3A : memref<!tpu.dma_semaphore, #tpu.memory_space<semaphore_mem>>)
        tpu.wait_dma2 semaphore(%run_scoped3A : memref<!tpu.dma_semaphore, #tpu.memory_space<semaphore_mem>>) src(%arg3 : memref<256x128xf32, #tpu.memory_space<hbm>>) dst(%arg14 : memref<256x128xf32, #tpu.memory_space<vmem_shared>>)
        tpu.yield
      }) : () -> ()
    } else {
    }
    "tpu.region"() ({
      %run_scoped3A = tpu.sem_alloc : memref<!tpu.dma_semaphore, #tpu.memory_space<semaphore_mem>>
      %dma_start3A_611 = arith.constant 0 : i32
      %dma_start3A_612 = arith.constant 0 : i32
      %dma_start3A_613 = tpu.memref_slice %arg4[%add3A, %dma_start3A_611, %dma_start3A_612] : memref<32x16x128xi32, #tpu.memory_space<hbm>> -> memref<1x16x128xi32, #tpu.memory_space<hbm>>
      %dma_start3A_614 = tpu.memref_squeeze %dma_start3A_613 : memref<1x16x128xi32, #tpu.memory_space<hbm>> -> memref<16x128xi32, #tpu.memory_space<hbm>>
      %dma_start3A_615 = arith.constant 0 : i32
      %dma_start3A_616 = arith.constant 0 : i32
      %dma_start3A_617 = tpu.memref_slice %arg4[%add3A, %dma_start3A_615, %dma_start3A_616] : memref<32x16x128xi32, #tpu.memory_space<hbm>> -> memref<1x16x128xi32, #tpu.memory_space<hbm>>
      %dma_start3A_618 = tpu.memref_squeeze %dma_start3A_617 : memref<1x16x128xi32, #tpu.memory_space<hbm>> -> memref<16x128xi32, #tpu.memory_space<hbm>>
      tpu.enqueue_dma source(%dma_start3A_618 : memref<16x128xi32, #tpu.memory_space<hbm>>) target(%arg7 : memref<16x128xi32, #tpu.memory_space<vmem>>) target_semaphore(%run_scoped3A : memref<!tpu.dma_semaphore, #tpu.memory_space<semaphore_mem>>)
      %dma_wait3A_619 = arith.constant 0 : i32
      %dma_wait3A_620 = arith.constant 0 : i32
      %dma_wait3A_621 = tpu.memref_slice %arg4[%add3A, %dma_wait3A_619, %dma_wait3A_620] : memref<32x16x128xi32, #tpu.memory_space<hbm>> -> memref<1x16x128xi32, #tpu.memory_space<hbm>>
      %dma_wait3A_622 = tpu.memref_squeeze %dma_wait3A_621 : memref<1x16x128xi32, #tpu.memory_space<hbm>> -> memref<16x128xi32, #tpu.memory_space<hbm>>
      %dma_wait3A_623 = arith.constant 0 : i32
      %dma_wait3A_624 = arith.constant 0 : i32
      %dma_wait3A_625 = tpu.memref_slice %arg4[%add3A, %dma_wait3A_623, %dma_wait3A_624] : memref<32x16x128xi32, #tpu.memory_space<hbm>> -> memref<1x16x128xi32, #tpu.memory_space<hbm>>
      %dma_wait3A_626 = tpu.memref_squeeze %dma_wait3A_625 : memref<1x16x128xi32, #tpu.memory_space<hbm>> -> memref<16x128xi32, #tpu.memory_space<hbm>>
      tpu.wait_dma2 semaphore(%run_scoped3A : memref<!tpu.dma_semaphore, #tpu.memory_space<semaphore_mem>>) src(%dma_wait3A_626 : memref<16x128xi32, #tpu.memory_space<hbm>>) dst(%arg7 : memref<16x128xi32, #tpu.memory_space<vmem>>)
      tpu.yield
    }) : () -> ()
    "tpu.region"() ({
      %run_scoped3A = tpu.sem_alloc : memref<!tpu.dma_semaphore, #tpu.memory_space<semaphore_mem>>
      %dma_start3A_611 = arith.constant 0 : i32
      %dma_start3A_612 = arith.constant 0 : i32
      %dma_start3A_613 = tpu.memref_slice %arg5[%add3A, %dma_start3A_611, %dma_start3A_612] : memref<32x16x128xi32, #tpu.memory_space<hbm>> -> memref<1x16x128xi32, #tpu.memory_space<hbm>>
      %dma_start3A_614 = tpu.memref_squeeze %dma_start3A_613 : memref<1x16x128xi32, #tpu.memory_space<hbm>> -> memref<16x128xi32, #tpu.memory_space<hbm>>
      %dma_start3A_615 = arith.constant 0 : i32
      %dma_start3A_616 = arith.constant 0 : i32
      %dma_start3A_617 = tpu.memref_slice %arg5[%add3A, %dma_start3A_615, %dma_start3A_616] : memref<32x16x128xi32, #tpu.memory_space<hbm>> -> memref<1x16x128xi32, #tpu.memory_space<hbm>>
      %dma_start3A_618 = tpu.memref_squeeze %dma_start3A_617 : memref<1x16x128xi32, #tpu.memory_space<hbm>> -> memref<16x128xi32, #tpu.memory_space<hbm>>
      tpu.enqueue_dma source(%dma_start3A_618 : memref<16x128xi32, #tpu.memory_space<hbm>>) target(%arg8 : memref<16x128xi32, #tpu.memory_space<vmem>>) target_semaphore(%run_scoped3A : memref<!tpu.dma_semaphore, #tpu.memory_space<semaphore_mem>>)
      %dma_wait3A_619 = arith.constant 0 : i32
      %dma_wait3A_620 = arith.constant 0 : i32
      %dma_wait3A_621 = tpu.memref_slice %arg5[%add3A, %dma_wait3A_619, %dma_wait3A_620] : memref<32x16x128xi32, #tpu.memory_space<hbm>> -> memref<1x16x128xi32, #tpu.memory_space<hbm>>
      %dma_wait3A_622 = tpu.memref_squeeze %dma_wait3A_621 : memref<1x16x128xi32, #tpu.memory_space<hbm>> -> memref<16x128xi32, #tpu.memory_space<hbm>>
      %dma_wait3A_623 = arith.constant 0 : i32
      %dma_wait3A_624 = arith.constant 0 : i32
      %dma_wait3A_625 = tpu.memref_slice %arg5[%add3A, %dma_wait3A_623, %dma_wait3A_624] : memref<32x16x128xi32, #tpu.memory_space<hbm>> -> memref<1x16x128xi32, #tpu.memory_space<hbm>>
      %dma_wait3A_626 = tpu.memref_squeeze %dma_wait3A_625 : memref<1x16x128xi32, #tpu.memory_space<hbm>> -> memref<16x128xi32, #tpu.memory_space<hbm>>
      tpu.wait_dma2 semaphore(%run_scoped3A : memref<!tpu.dma_semaphore, #tpu.memory_space<semaphore_mem>>) src(%dma_wait3A_626 : memref<16x128xi32, #tpu.memory_space<hbm>>) dst(%arg8 : memref<16x128xi32, #tpu.memory_space<vmem>>)
      tpu.yield
    }) : () -> ()
    %barrier3A = arith.constant 0 : index
    tpu.barrier barrier_id(%barrier3A)
    %dma_start3A = arith.constant 0 : i32
    %dma_start3A_5 = arith.constant 0 : i32
    %dma_start3A_6 = tpu.memref_slice %arg7[%dma_start3A, %dma_start3A_5] : memref<16x128xi32, #tpu.memory_space<vmem>> -> memref<1x128xi32, #tpu.memory_space<vmem>>
    %dma_start3A_7 = tpu.memref_squeeze %dma_start3A_6 : memref<1x128xi32, #tpu.memory_space<vmem>> -> memref<128xi32, #tpu.memory_space<vmem>>
    %dma_start3A_8 = arith.constant 0 : i32
    %dma_start3A_9 = arith.constant 0 : i32
    %dma_start3A_10 = tpu.memref_slice %arg13[%dma_start3A_8, %dma_start3A_9] : memref<256x128xf32, #tpu.memory_space<vmem_shared>> -> memref<256x128xf32, #tpu.memory_space<vmem_shared>>
    tpu.enqueue_indirect_dma source(%dma_start3A_10 : memref<256x128xf32, #tpu.memory_space<vmem_shared>>) target(%arg9 : memref<128x128xf32, #tpu.memory_space<vmem>>) offsets(%dma_start3A_7 : memref<128xi32, #tpu.memory_space<vmem>>) semaphore(%arg15 : memref<!tpu.dma_semaphore, #tpu.memory_space<semaphore_mem>>)
    %dma_start3A_11 = arith.constant 1 : i32
    %dma_start3A_12 = arith.constant 0 : i32
    %dma_start3A_13 = tpu.memref_slice %arg7[%dma_start3A_11, %dma_start3A_12] : memref<16x128xi32, #tpu.memory_space<vmem>> -> memref<1x128xi32, #tpu.memory_space<vmem>>
    %dma_start3A_14 = tpu.memref_squeeze %dma_start3A_13 : memref<1x128xi32, #tpu.memory_space<vmem>> -> memref<128xi32, #tpu.memory_space<vmem>>
    %dma_start3A_15 = arith.constant 0 : i32
    %dma_start3A_16 = arith.constant 0 : i32
    %dma_start3A_17 = tpu.memref_slice %arg13[%dma_start3A_15, %dma_start3A_16] : memref<256x128xf32, #tpu.memory_space<vmem_shared>> -> memref<256x128xf32, #tpu.memory_space<vmem_shared>>
    tpu.enqueue_indirect_dma source(%dma_start3A_17 : memref<256x128xf32, #tpu.memory_space<vmem_shared>>) target(%arg10 : memref<128x128xf32, #tpu.memory_space<vmem>>) offsets(%dma_start3A_14 : memref<128xi32, #tpu.memory_space<vmem>>) semaphore(%arg16 : memref<!tpu.dma_semaphore, #tpu.memory_space<semaphore_mem>>)
    %dma_start3A_18 = arith.constant 2 : i32
    %dma_start3A_19 = arith.constant 0 : i32
    %dma_start3A_20 = tpu.memref_slice %arg7[%dma_start3A_18, %dma_start3A_19] : memref<16x128xi32, #tpu.memory_space<vmem>> -> memref<1x128xi32, #tpu.memory_space<vmem>>
    %dma_start3A_21 = tpu.memref_squeeze %dma_start3A_20 : memref<1x128xi32, #tpu.memory_space<vmem>> -> memref<128xi32, #tpu.memory_space<vmem>>
    %dma_start3A_22 = arith.constant 0 : i32
    %dma_start3A_23 = arith.constant 0 : i32
    %dma_start3A_24 = tpu.memref_slice %arg13[%dma_start3A_22, %dma_start3A_23] : memref<256x128xf32, #tpu.memory_space<vmem_shared>> -> memref<256x128xf32, #tpu.memory_space<vmem_shared>>
    tpu.enqueue_indirect_dma source(%dma_start3A_24 : memref<256x128xf32, #tpu.memory_space<vmem_shared>>) target(%arg11 : memref<128x128xf32, #tpu.memory_space<vmem>>) offsets(%dma_start3A_21 : memref<128xi32, #tpu.memory_space<vmem>>) semaphore(%arg17 : memref<!tpu.dma_semaphore, #tpu.memory_space<semaphore_mem>>)
    %dma_wait3A = arith.constant 0 : i32
    %dma_wait3A_25 = arith.constant 0 : i32
    %dma_wait3A_26 = tpu.memref_slice %arg7[%dma_wait3A, %dma_wait3A_25] : memref<16x128xi32, #tpu.memory_space<vmem>> -> memref<1x128xi32, #tpu.memory_space<vmem>>
    %dma_wait3A_27 = tpu.memref_squeeze %dma_wait3A_26 : memref<1x128xi32, #tpu.memory_space<vmem>> -> memref<128xi32, #tpu.memory_space<vmem>>
    %dma_wait3A_28 = arith.constant 0 : i32
    %dma_wait3A_29 = arith.constant 0 : i32
    %dma_wait3A_30 = tpu.memref_slice %arg13[%dma_wait3A_28, %dma_wait3A_29] : memref<256x128xf32, #tpu.memory_space<vmem_shared>> -> memref<256x128xf32, #tpu.memory_space<vmem_shared>>
    tpu.wait_indirect_dma semaphore(%arg15 : memref<!tpu.dma_semaphore, #tpu.memory_space<semaphore_mem>>) src(%dma_wait3A_30 : memref<256x128xf32, #tpu.memory_space<vmem_shared>>) dst(%arg9 : memref<128x128xf32, #tpu.memory_space<vmem>>)
    %dma_start3A_31 = arith.constant 0 : i32
    %dma_start3A_32 = arith.constant 0 : i32
    %dma_start3A_33 = tpu.memref_slice %arg8[%dma_start3A_31, %dma_start3A_32] : memref<16x128xi32, #tpu.memory_space<vmem>> -> memref<1x128xi32, #tpu.memory_space<vmem>>
    %dma_start3A_34 = tpu.memref_squeeze %dma_start3A_33 : memref<1x128xi32, #tpu.memory_space<vmem>> -> memref<128xi32, #tpu.memory_space<vmem>>
    %dma_start3A_35 = arith.constant 0 : i32
    %dma_start3A_36 = arith.constant 0 : i32
    %dma_start3A_37 = tpu.memref_slice %arg14[%dma_start3A_35, %dma_start3A_36] : memref<256x128xf32, #tpu.memory_space<vmem_shared>> -> memref<256x128xf32, #tpu.memory_space<vmem_shared>>
    tpu.enqueue_indirect_dma source(%dma_start3A_37 : memref<256x128xf32, #tpu.memory_space<vmem_shared>>) target(%arg9 : memref<128x128xf32, #tpu.memory_space<vmem>>) offsets(%dma_start3A_34 : memref<128xi32, #tpu.memory_space<vmem>>) semaphore(%arg19 : memref<!tpu.dma_semaphore, #tpu.memory_space<semaphore_mem>>) {add = true}
    %dma_wait3A_38 = arith.constant 1 : i32
    %dma_wait3A_39 = arith.constant 0 : i32
    %dma_wait3A_40 = tpu.memref_slice %arg7[%dma_wait3A_38, %dma_wait3A_39] : memref<16x128xi32, #tpu.memory_space<vmem>> -> memref<1x128xi32, #tpu.memory_space<vmem>>
    %dma_wait3A_41 = tpu.memref_squeeze %dma_wait3A_40 : memref<1x128xi32, #tpu.memory_space<vmem>> -> memref<128xi32, #tpu.memory_space<vmem>>
    %dma_wait3A_42 = arith.constant 0 : i32
    %dma_wait3A_43 = arith.constant 0 : i32
    %dma_wait3A_44 = tpu.memref_slice %arg13[%dma_wait3A_42, %dma_wait3A_43] : memref<256x128xf32, #tpu.memory_space<vmem_shared>> -> memref<256x128xf32, #tpu.memory_space<vmem_shared>>
    tpu.wait_indirect_dma semaphore(%arg16 : memref<!tpu.dma_semaphore, #tpu.memory_space<semaphore_mem>>) src(%dma_wait3A_44 : memref<256x128xf32, #tpu.memory_space<vmem_shared>>) dst(%arg10 : memref<128x128xf32, #tpu.memory_space<vmem>>)
    %dma_start3A_45 = arith.constant 1 : i32
    %dma_start3A_46 = arith.constant 0 : i32
    %dma_start3A_47 = tpu.memref_slice %arg8[%dma_start3A_45, %dma_start3A_46] : memref<16x128xi32, #tpu.memory_space<vmem>> -> memref<1x128xi32, #tpu.memory_space<vmem>>
    %dma_start3A_48 = tpu.memref_squeeze %dma_start3A_47 : memref<1x128xi32, #tpu.memory_space<vmem>> -> memref<128xi32, #tpu.memory_space<vmem>>
    %dma_start3A_49 = arith.constant 0 : i32
    %dma_start3A_50 = arith.constant 0 : i32
    %dma_start3A_51 = tpu.memref_slice %arg14[%dma_start3A_49, %dma_start3A_50] : memref<256x128xf32, #tpu.memory_space<vmem_shared>> -> memref<256x128xf32, #tpu.memory_space<vmem_shared>>
    tpu.enqueue_indirect_dma source(%dma_start3A_51 : memref<256x128xf32, #tpu.memory_space<vmem_shared>>) target(%arg10 : memref<128x128xf32, #tpu.memory_space<vmem>>) offsets(%dma_start3A_48 : memref<128xi32, #tpu.memory_space<vmem>>) semaphore(%arg20 : memref<!tpu.dma_semaphore, #tpu.memory_space<semaphore_mem>>) {add = true}
    %dma_wait3A_52 = arith.constant 0 : i32
    %dma_wait3A_53 = arith.constant 0 : i32
    %dma_wait3A_54 = tpu.memref_slice %arg8[%dma_wait3A_52, %dma_wait3A_53] : memref<16x128xi32, #tpu.memory_space<vmem>> -> memref<1x128xi32, #tpu.memory_space<vmem>>
    %dma_wait3A_55 = tpu.memref_squeeze %dma_wait3A_54 : memref<1x128xi32, #tpu.memory_space<vmem>> -> memref<128xi32, #tpu.memory_space<vmem>>
    %dma_wait3A_56 = arith.constant 0 : i32
    %dma_wait3A_57 = arith.constant 0 : i32
    %dma_wait3A_58 = tpu.memref_slice %arg14[%dma_wait3A_56, %dma_wait3A_57] : memref<256x128xf32, #tpu.memory_space<vmem_shared>> -> memref<256x128xf32, #tpu.memory_space<vmem_shared>>
    tpu.wait_indirect_dma semaphore(%arg19 : memref<!tpu.dma_semaphore, #tpu.memory_space<semaphore_mem>>) src(%dma_wait3A_58 : memref<256x128xf32, #tpu.memory_space<vmem_shared>>) dst(%arg9 : memref<128x128xf32, #tpu.memory_space<vmem>>)
    %add3A_59 = arith.constant 0 : i32
    %add3A_60 = arith.addi %mul3A_2, %add3A_59 : i32
    %dma_start3A_61 = arith.constant 0 : i32
    %dma_start3A_62 = tpu.memref_slice %arg6[%add3A_60, %dma_start3A_61] : memref<65536x128xf32, #tpu.memory_space<hbm>> -> memref<128x128xf32, #tpu.memory_space<hbm>>
    %dma_start3A_63 = arith.constant 0 : i32
    %dma_start3A_64 = tpu.memref_slice %arg6[%add3A_60, %dma_start3A_63] : memref<65536x128xf32, #tpu.memory_space<hbm>> -> memref<128x128xf32, #tpu.memory_space<hbm>>
    tpu.enqueue_dma source(%arg9 : memref<128x128xf32, #tpu.memory_space<vmem>>) target(%dma_start3A_64 : memref<128x128xf32, #tpu.memory_space<hbm>>) target_semaphore(%arg23 : memref<!tpu.dma_semaphore, #tpu.memory_space<semaphore_mem>>)
    %dma_wait3A_65 = arith.constant 2 : i32
    %dma_wait3A_66 = arith.constant 0 : i32
    %dma_wait3A_67 = tpu.memref_slice %arg7[%dma_wait3A_65, %dma_wait3A_66] : memref<16x128xi32, #tpu.memory_space<vmem>> -> memref<1x128xi32, #tpu.memory_space<vmem>>
    %dma_wait3A_68 = tpu.memref_squeeze %dma_wait3A_67 : memref<1x128xi32, #tpu.memory_space<vmem>> -> memref<128xi32, #tpu.memory_space<vmem>>
    %dma_wait3A_69 = arith.constant 0 : i32
    %dma_wait3A_70 = arith.constant 0 : i32
    %dma_wait3A_71 = tpu.memref_slice %arg13[%dma_wait3A_69, %dma_wait3A_70] : memref<256x128xf32, #tpu.memory_space<vmem_shared>> -> memref<256x128xf32, #tpu.memory_space<vmem_shared>>
    tpu.wait_indirect_dma semaphore(%arg17 : memref<!tpu.dma_semaphore, #tpu.memory_space<semaphore_mem>>) src(%dma_wait3A_71 : memref<256x128xf32, #tpu.memory_space<vmem_shared>>) dst(%arg11 : memref<128x128xf32, #tpu.memory_space<vmem>>)
    %dma_start3A_72 = arith.constant 2 : i32
    %dma_start3A_73 = arith.constant 0 : i32
    %dma_start3A_74 = tpu.memref_slice %arg8[%dma_start3A_72, %dma_start3A_73] : memref<16x128xi32, #tpu.memory_space<vmem>> -> memref<1x128xi32, #tpu.memory_space<vmem>>
    %dma_start3A_75 = tpu.memref_squeeze %dma_start3A_74 : memref<1x128xi32, #tpu.memory_space<vmem>> -> memref<128xi32, #tpu.memory_space<vmem>>
    %dma_start3A_76 = arith.constant 0 : i32
    %dma_start3A_77 = arith.constant 0 : i32
    %dma_start3A_78 = tpu.memref_slice %arg14[%dma_start3A_76, %dma_start3A_77] : memref<256x128xf32, #tpu.memory_space<vmem_shared>> -> memref<256x128xf32, #tpu.memory_space<vmem_shared>>
    tpu.enqueue_indirect_dma source(%dma_start3A_78 : memref<256x128xf32, #tpu.memory_space<vmem_shared>>) target(%arg11 : memref<128x128xf32, #tpu.memory_space<vmem>>) offsets(%dma_start3A_75 : memref<128xi32, #tpu.memory_space<vmem>>) semaphore(%arg21 : memref<!tpu.dma_semaphore, #tpu.memory_space<semaphore_mem>>) {add = true}
    %dma_start3A_79 = arith.constant 3 : i32
    %dma_start3A_80 = arith.constant 0 : i32
    %dma_start3A_81 = tpu.memref_slice %arg7[%dma_start3A_79, %dma_start3A_80] : memref<16x128xi32, #tpu.memory_space<vmem>> -> memref<1x128xi32, #tpu.memory_space<vmem>>
    %dma_start3A_82 = tpu.memref_squeeze %dma_start3A_81 : memref<1x128xi32, #tpu.memory_space<vmem>> -> memref<128xi32, #tpu.memory_space<vmem>>
    %dma_start3A_83 = arith.constant 0 : i32
    %dma_start3A_84 = arith.constant 0 : i32
    %dma_start3A_85 = tpu.memref_slice %arg13[%dma_start3A_83, %dma_start3A_84] : memref<256x128xf32, #tpu.memory_space<vmem_shared>> -> memref<256x128xf32, #tpu.memory_space<vmem_shared>>
    tpu.enqueue_indirect_dma source(%dma_start3A_85 : memref<256x128xf32, #tpu.memory_space<vmem_shared>>) target(%arg12 : memref<128x128xf32, #tpu.memory_space<vmem>>) offsets(%dma_start3A_82 : memref<128xi32, #tpu.memory_space<vmem>>) semaphore(%arg18 : memref<!tpu.dma_semaphore, #tpu.memory_space<semaphore_mem>>)
    %dma_wait3A_86 = arith.constant 1 : i32
    %dma_wait3A_87 = arith.constant 0 : i32
    %dma_wait3A_88 = tpu.memref_slice %arg8[%dma_wait3A_86, %dma_wait3A_87] : memref<16x128xi32, #tpu.memory_space<vmem>> -> memref<1x128xi32, #tpu.memory_space<vmem>>
    %dma_wait3A_89 = tpu.memref_squeeze %dma_wait3A_88 : memref<1x128xi32, #tpu.memory_space<vmem>> -> memref<128xi32, #tpu.memory_space<vmem>>
    %dma_wait3A_90 = arith.constant 0 : i32
    %dma_wait3A_91 = arith.constant 0 : i32
    %dma_wait3A_92 = tpu.memref_slice %arg14[%dma_wait3A_90, %dma_wait3A_91] : memref<256x128xf32, #tpu.memory_space<vmem_shared>> -> memref<256x128xf32, #tpu.memory_space<vmem_shared>>
    tpu.wait_indirect_dma semaphore(%arg20 : memref<!tpu.dma_semaphore, #tpu.memory_space<semaphore_mem>>) src(%dma_wait3A_92 : memref<256x128xf32, #tpu.memory_space<vmem_shared>>) dst(%arg10 : memref<128x128xf32, #tpu.memory_space<vmem>>)
    %add3A_93 = arith.constant 128 : i32
    %add3A_94 = arith.addi %mul3A_2, %add3A_93 : i32
    %dma_start3A_95 = arith.constant 0 : i32
    %dma_start3A_96 = tpu.memref_slice %arg6[%add3A_94, %dma_start3A_95] : memref<65536x128xf32, #tpu.memory_space<hbm>> -> memref<128x128xf32, #tpu.memory_space<hbm>>
    %dma_start3A_97 = arith.constant 0 : i32
    %dma_start3A_98 = tpu.memref_slice %arg6[%add3A_94, %dma_start3A_97] : memref<65536x128xf32, #tpu.memory_space<hbm>> -> memref<128x128xf32, #tpu.memory_space<hbm>>
    tpu.enqueue_dma source(%arg10 : memref<128x128xf32, #tpu.memory_space<vmem>>) target(%dma_start3A_98 : memref<128x128xf32, #tpu.memory_space<hbm>>) target_semaphore(%arg24 : memref<!tpu.dma_semaphore, #tpu.memory_space<semaphore_mem>>)
    %dma_wait3A_99 = arith.constant 3 : i32
    %dma_wait3A_100 = arith.constant 0 : i32
    %dma_wait3A_101 = tpu.memref_slice %arg7[%dma_wait3A_99, %dma_wait3A_100] : memref<16x128xi32, #tpu.memory_space<vmem>> -> memref<1x128xi32, #tpu.memory_space<vmem>>
    %dma_wait3A_102 = tpu.memref_squeeze %dma_wait3A_101 : memref<1x128xi32, #tpu.memory_space<vmem>> -> memref<128xi32, #tpu.memory_space<vmem>>
    %dma_wait3A_103 = arith.constant 0 : i32
    %dma_wait3A_104 = arith.constant 0 : i32
    %dma_wait3A_105 = tpu.memref_slice %arg13[%dma_wait3A_103, %dma_wait3A_104] : memref<256x128xf32, #tpu.memory_space<vmem_shared>> -> memref<256x128xf32, #tpu.memory_space<vmem_shared>>
    tpu.wait_indirect_dma semaphore(%arg18 : memref<!tpu.dma_semaphore, #tpu.memory_space<semaphore_mem>>) src(%dma_wait3A_105 : memref<256x128xf32, #tpu.memory_space<vmem_shared>>) dst(%arg12 : memref<128x128xf32, #tpu.memory_space<vmem>>)
    %dma_start3A_106 = arith.constant 3 : i32
    %dma_start3A_107 = arith.constant 0 : i32
    %dma_start3A_108 = tpu.memref_slice %arg8[%dma_start3A_106, %dma_start3A_107] : memref<16x128xi32, #tpu.memory_space<vmem>> -> memref<1x128xi32, #tpu.memory_space<vmem>>
    %dma_start3A_109 = tpu.memref_squeeze %dma_start3A_108 : memref<1x128xi32, #tpu.memory_space<vmem>> -> memref<128xi32, #tpu.memory_space<vmem>>
    %dma_start3A_110 = arith.constant 0 : i32
    %dma_start3A_111 = arith.constant 0 : i32
    %dma_start3A_112 = tpu.memref_slice %arg14[%dma_start3A_110, %dma_start3A_111] : memref<256x128xf32, #tpu.memory_space<vmem_shared>> -> memref<256x128xf32, #tpu.memory_space<vmem_shared>>
    tpu.enqueue_indirect_dma source(%dma_start3A_112 : memref<256x128xf32, #tpu.memory_space<vmem_shared>>) target(%arg12 : memref<128x128xf32, #tpu.memory_space<vmem>>) offsets(%dma_start3A_109 : memref<128xi32, #tpu.memory_space<vmem>>) semaphore(%arg22 : memref<!tpu.dma_semaphore, #tpu.memory_space<semaphore_mem>>) {add = true}
    %dma_wait3A_113 = arith.constant 0 : i32
    %dma_wait3A_114 = tpu.memref_slice %arg6[%add3A_60, %dma_wait3A_113] : memref<65536x128xf32, #tpu.memory_space<hbm>> -> memref<128x128xf32, #tpu.memory_space<hbm>>
    %dma_wait3A_115 = arith.constant 0 : i32
    %dma_wait3A_116 = tpu.memref_slice %arg6[%add3A_60, %dma_wait3A_115] : memref<65536x128xf32, #tpu.memory_space<hbm>> -> memref<128x128xf32, #tpu.memory_space<hbm>>
    tpu.wait_dma2 semaphore(%arg23 : memref<!tpu.dma_semaphore, #tpu.memory_space<semaphore_mem>>) src(%arg9 : memref<128x128xf32, #tpu.memory_space<vmem>>) dst(%dma_wait3A_116 : memref<128x128xf32, #tpu.memory_space<hbm>>)
    %dma_start3A_117 = arith.constant 4 : i32
    %dma_start3A_118 = arith.constant 0 : i32
    %dma_start3A_119 = tpu.memref_slice %arg7[%dma_start3A_117, %dma_start3A_118] : memref<16x128xi32, #tpu.memory_space<vmem>> -> memref<1x128xi32, #tpu.memory_space<vmem>>
    %dma_start3A_120 = tpu.memref_squeeze %dma_start3A_119 : memref<1x128xi32, #tpu.memory_space<vmem>> -> memref<128xi32, #tpu.memory_space<vmem>>
    %dma_start3A_121 = arith.constant 0 : i32
    %dma_start3A_122 = arith.constant 0 : i32
    %dma_start3A_123 = tpu.memref_slice %arg13[%dma_start3A_121, %dma_start3A_122] : memref<256x128xf32, #tpu.memory_space<vmem_shared>> -> memref<256x128xf32, #tpu.memory_space<vmem_shared>>
    tpu.enqueue_indirect_dma source(%dma_start3A_123 : memref<256x128xf32, #tpu.memory_space<vmem_shared>>) target(%arg9 : memref<128x128xf32, #tpu.memory_space<vmem>>) offsets(%dma_start3A_120 : memref<128xi32, #tpu.memory_space<vmem>>) semaphore(%arg15 : memref<!tpu.dma_semaphore, #tpu.memory_space<semaphore_mem>>)
    %dma_wait3A_124 = arith.constant 2 : i32
    %dma_wait3A_125 = arith.constant 0 : i32
    %dma_wait3A_126 = tpu.memref_slice %arg8[%dma_wait3A_124, %dma_wait3A_125] : memref<16x128xi32, #tpu.memory_space<vmem>> -> memref<1x128xi32, #tpu.memory_space<vmem>>
    %dma_wait3A_127 = tpu.memref_squeeze %dma_wait3A_126 : memref<1x128xi32, #tpu.memory_space<vmem>> -> memref<128xi32, #tpu.memory_space<vmem>>
    %dma_wait3A_128 = arith.constant 0 : i32
    %dma_wait3A_129 = arith.constant 0 : i32
    %dma_wait3A_130 = tpu.memref_slice %arg14[%dma_wait3A_128, %dma_wait3A_129] : memref<256x128xf32, #tpu.memory_space<vmem_shared>> -> memref<256x128xf32, #tpu.memory_space<vmem_shared>>
    tpu.wait_indirect_dma semaphore(%arg21 : memref<!tpu.dma_semaphore, #tpu.memory_space<semaphore_mem>>) src(%dma_wait3A_130 : memref<256x128xf32, #tpu.memory_space<vmem_shared>>) dst(%arg11 : memref<128x128xf32, #tpu.memory_space<vmem>>)
    %add3A_131 = arith.constant 256 : i32
    %add3A_132 = arith.addi %mul3A_2, %add3A_131 : i32
    %dma_start3A_133 = arith.constant 0 : i32
    %dma_start3A_134 = tpu.memref_slice %arg6[%add3A_132, %dma_start3A_133] : memref<65536x128xf32, #tpu.memory_space<hbm>> -> memref<128x128xf32, #tpu.memory_space<hbm>>
    %dma_start3A_135 = arith.constant 0 : i32
    %dma_start3A_136 = tpu.memref_slice %arg6[%add3A_132, %dma_start3A_135] : memref<65536x128xf32, #tpu.memory_space<hbm>> -> memref<128x128xf32, #tpu.memory_space<hbm>>
    tpu.enqueue_dma source(%arg11 : memref<128x128xf32, #tpu.memory_space<vmem>>) target(%dma_start3A_136 : memref<128x128xf32, #tpu.memory_space<hbm>>) target_semaphore(%arg25 : memref<!tpu.dma_semaphore, #tpu.memory_space<semaphore_mem>>)
    %dma_wait3A_137 = arith.constant 4 : i32
    %dma_wait3A_138 = arith.constant 0 : i32
    %dma_wait3A_139 = tpu.memref_slice %arg7[%dma_wait3A_137, %dma_wait3A_138] : memref<16x128xi32, #tpu.memory_space<vmem>> -> memref<1x128xi32, #tpu.memory_space<vmem>>
    %dma_wait3A_140 = tpu.memref_squeeze %dma_wait3A_139 : memref<1x128xi32, #tpu.memory_space<vmem>> -> memref<128xi32, #tpu.memory_space<vmem>>
    %dma_wait3A_141 = arith.constant 0 : i32
    %dma_wait3A_142 = arith.constant 0 : i32
    %dma_wait3A_143 = tpu.memref_slice %arg13[%dma_wait3A_141, %dma_wait3A_142] : memref<256x128xf32, #tpu.memory_space<vmem_shared>> -> memref<256x128xf32, #tpu.memory_space<vmem_shared>>
    tpu.wait_indirect_dma semaphore(%arg15 : memref<!tpu.dma_semaphore, #tpu.memory_space<semaphore_mem>>) src(%dma_wait3A_143 : memref<256x128xf32, #tpu.memory_space<vmem_shared>>) dst(%arg9 : memref<128x128xf32, #tpu.memory_space<vmem>>)
    %dma_start3A_144 = arith.constant 4 : i32
    %dma_start3A_145 = arith.constant 0 : i32
    %dma_start3A_146 = tpu.memref_slice %arg8[%dma_start3A_144, %dma_start3A_145] : memref<16x128xi32, #tpu.memory_space<vmem>> -> memref<1x128xi32, #tpu.memory_space<vmem>>
    %dma_start3A_147 = tpu.memref_squeeze %dma_start3A_146 : memref<1x128xi32, #tpu.memory_space<vmem>> -> memref<128xi32, #tpu.memory_space<vmem>>
    %dma_start3A_148 = arith.constant 0 : i32
    %dma_start3A_149 = arith.constant 0 : i32
    %dma_start3A_150 = tpu.memref_slice %arg14[%dma_start3A_148, %dma_start3A_149] : memref<256x128xf32, #tpu.memory_space<vmem_shared>> -> memref<256x128xf32, #tpu.memory_space<vmem_shared>>
    tpu.enqueue_indirect_dma source(%dma_start3A_150 : memref<256x128xf32, #tpu.memory_space<vmem_shared>>) target(%arg9 : memref<128x128xf32, #tpu.memory_space<vmem>>) offsets(%dma_start3A_147 : memref<128xi32, #tpu.memory_space<vmem>>) semaphore(%arg19 : memref<!tpu.dma_semaphore, #tpu.memory_space<semaphore_mem>>) {add = true}
    %dma_wait3A_151 = arith.constant 0 : i32
    %dma_wait3A_152 = tpu.memref_slice %arg6[%add3A_94, %dma_wait3A_151] : memref<65536x128xf32, #tpu.memory_space<hbm>> -> memref<128x128xf32, #tpu.memory_space<hbm>>
    %dma_wait3A_153 = arith.constant 0 : i32
    %dma_wait3A_154 = tpu.memref_slice %arg6[%add3A_94, %dma_wait3A_153] : memref<65536x128xf32, #tpu.memory_space<hbm>> -> memref<128x128xf32, #tpu.memory_space<hbm>>
    tpu.wait_dma2 semaphore(%arg24 : memref<!tpu.dma_semaphore, #tpu.memory_space<semaphore_mem>>) src(%arg10 : memref<128x128xf32, #tpu.memory_space<vmem>>) dst(%dma_wait3A_154 : memref<128x128xf32, #tpu.memory_space<hbm>>)
    %dma_start3A_155 = arith.constant 5 : i32
    %dma_start3A_156 = arith.constant 0 : i32
    %dma_start3A_157 = tpu.memref_slice %arg7[%dma_start3A_155, %dma_start3A_156] : memref<16x128xi32, #tpu.memory_space<vmem>> -> memref<1x128xi32, #tpu.memory_space<vmem>>
    %dma_start3A_158 = tpu.memref_squeeze %dma_start3A_157 : memref<1x128xi32, #tpu.memory_space<vmem>> -> memref<128xi32, #tpu.memory_space<vmem>>
    %dma_start3A_159 = arith.constant 0 : i32
    %dma_start3A_160 = arith.constant 0 : i32
    %dma_start3A_161 = tpu.memref_slice %arg13[%dma_start3A_159, %dma_start3A_160] : memref<256x128xf32, #tpu.memory_space<vmem_shared>> -> memref<256x128xf32, #tpu.memory_space<vmem_shared>>
    tpu.enqueue_indirect_dma source(%dma_start3A_161 : memref<256x128xf32, #tpu.memory_space<vmem_shared>>) target(%arg10 : memref<128x128xf32, #tpu.memory_space<vmem>>) offsets(%dma_start3A_158 : memref<128xi32, #tpu.memory_space<vmem>>) semaphore(%arg16 : memref<!tpu.dma_semaphore, #tpu.memory_space<semaphore_mem>>)
    %dma_wait3A_162 = arith.constant 3 : i32
    %dma_wait3A_163 = arith.constant 0 : i32
    %dma_wait3A_164 = tpu.memref_slice %arg8[%dma_wait3A_162, %dma_wait3A_163] : memref<16x128xi32, #tpu.memory_space<vmem>> -> memref<1x128xi32, #tpu.memory_space<vmem>>
    %dma_wait3A_165 = tpu.memref_squeeze %dma_wait3A_164 : memref<1x128xi32, #tpu.memory_space<vmem>> -> memref<128xi32, #tpu.memory_space<vmem>>
    %dma_wait3A_166 = arith.constant 0 : i32
    %dma_wait3A_167 = arith.constant 0 : i32
    %dma_wait3A_168 = tpu.memref_slice %arg14[%dma_wait3A_166, %dma_wait3A_167] : memref<256x128xf32, #tpu.memory_space<vmem_shared>> -> memref<256x128xf32, #tpu.memory_space<vmem_shared>>
    tpu.wait_indirect_dma semaphore(%arg22 : memref<!tpu.dma_semaphore, #tpu.memory_space<semaphore_mem>>) src(%dma_wait3A_168 : memref<256x128xf32, #tpu.memory_space<vmem_shared>>) dst(%arg12 : memref<128x128xf32, #tpu.memory_space<vmem>>)
    %add3A_169 = arith.constant 384 : i32
    %add3A_170 = arith.addi %mul3A_2, %add3A_169 : i32
    %dma_start3A_171 = arith.constant 0 : i32
    %dma_start3A_172 = tpu.memref_slice %arg6[%add3A_170, %dma_start3A_171] : memref<65536x128xf32, #tpu.memory_space<hbm>> -> memref<128x128xf32, #tpu.memory_space<hbm>>
    %dma_start3A_173 = arith.constant 0 : i32
    %dma_start3A_174 = tpu.memref_slice %arg6[%add3A_170, %dma_start3A_173] : memref<65536x128xf32, #tpu.memory_space<hbm>> -> memref<128x128xf32, #tpu.memory_space<hbm>>
    tpu.enqueue_dma source(%arg12 : memref<128x128xf32, #tpu.memory_space<vmem>>) target(%dma_start3A_174 : memref<128x128xf32, #tpu.memory_space<hbm>>) target_semaphore(%arg26 : memref<!tpu.dma_semaphore, #tpu.memory_space<semaphore_mem>>)
    %dma_wait3A_175 = arith.constant 5 : i32
    %dma_wait3A_176 = arith.constant 0 : i32
    %dma_wait3A_177 = tpu.memref_slice %arg7[%dma_wait3A_175, %dma_wait3A_176] : memref<16x128xi32, #tpu.memory_space<vmem>> -> memref<1x128xi32, #tpu.memory_space<vmem>>
    %dma_wait3A_178 = tpu.memref_squeeze %dma_wait3A_177 : memref<1x128xi32, #tpu.memory_space<vmem>> -> memref<128xi32, #tpu.memory_space<vmem>>
    %dma_wait3A_179 = arith.constant 0 : i32
    %dma_wait3A_180 = arith.constant 0 : i32
    %dma_wait3A_181 = tpu.memref_slice %arg13[%dma_wait3A_179, %dma_wait3A_180] : memref<256x128xf32, #tpu.memory_space<vmem_shared>> -> memref<256x128xf32, #tpu.memory_space<vmem_shared>>
    tpu.wait_indirect_dma semaphore(%arg16 : memref<!tpu.dma_semaphore, #tpu.memory_space<semaphore_mem>>) src(%dma_wait3A_181 : memref<256x128xf32, #tpu.memory_space<vmem_shared>>) dst(%arg10 : memref<128x128xf32, #tpu.memory_space<vmem>>)
    %dma_start3A_182 = arith.constant 5 : i32
    %dma_start3A_183 = arith.constant 0 : i32
    %dma_start3A_184 = tpu.memref_slice %arg8[%dma_start3A_182, %dma_start3A_183] : memref<16x128xi32, #tpu.memory_space<vmem>> -> memref<1x128xi32, #tpu.memory_space<vmem>>
    %dma_start3A_185 = tpu.memref_squeeze %dma_start3A_184 : memref<1x128xi32, #tpu.memory_space<vmem>> -> memref<128xi32, #tpu.memory_space<vmem>>
    %dma_start3A_186 = arith.constant 0 : i32
    %dma_start3A_187 = arith.constant 0 : i32
    %dma_start3A_188 = tpu.memref_slice %arg14[%dma_start3A_186, %dma_start3A_187] : memref<256x128xf32, #tpu.memory_space<vmem_shared>> -> memref<256x128xf32, #tpu.memory_space<vmem_shared>>
    tpu.enqueue_indirect_dma source(%dma_start3A_188 : memref<256x128xf32, #tpu.memory_space<vmem_shared>>) target(%arg10 : memref<128x128xf32, #tpu.memory_space<vmem>>) offsets(%dma_start3A_185 : memref<128xi32, #tpu.memory_space<vmem>>) semaphore(%arg20 : memref<!tpu.dma_semaphore, #tpu.memory_space<semaphore_mem>>) {add = true}
    %dma_wait3A_189 = arith.constant 0 : i32
    %dma_wait3A_190 = tpu.memref_slice %arg6[%add3A_132, %dma_wait3A_189] : memref<65536x128xf32, #tpu.memory_space<hbm>> -> memref<128x128xf32, #tpu.memory_space<hbm>>
    %dma_wait3A_191 = arith.constant 0 : i32
    %dma_wait3A_192 = tpu.memref_slice %arg6[%add3A_132, %dma_wait3A_191] : memref<65536x128xf32, #tpu.memory_space<hbm>> -> memref<128x128xf32, #tpu.memory_space<hbm>>
    tpu.wait_dma2 semaphore(%arg25 : memref<!tpu.dma_semaphore, #tpu.memory_space<semaphore_mem>>) src(%arg11 : memref<128x128xf32, #tpu.memory_space<vmem>>) dst(%dma_wait3A_192 : memref<128x128xf32, #tpu.memory_space<hbm>>)
    %dma_start3A_193 = arith.constant 6 : i32
    %dma_start3A_194 = arith.constant 0 : i32
    %dma_start3A_195 = tpu.memref_slice %arg7[%dma_start3A_193, %dma_start3A_194] : memref<16x128xi32, #tpu.memory_space<vmem>> -> memref<1x128xi32, #tpu.memory_space<vmem>>
    %dma_start3A_196 = tpu.memref_squeeze %dma_start3A_195 : memref<1x128xi32, #tpu.memory_space<vmem>> -> memref<128xi32, #tpu.memory_space<vmem>>
    %dma_start3A_197 = arith.constant 0 : i32
    %dma_start3A_198 = arith.constant 0 : i32
    %dma_start3A_199 = tpu.memref_slice %arg13[%dma_start3A_197, %dma_start3A_198] : memref<256x128xf32, #tpu.memory_space<vmem_shared>> -> memref<256x128xf32, #tpu.memory_space<vmem_shared>>
    tpu.enqueue_indirect_dma source(%dma_start3A_199 : memref<256x128xf32, #tpu.memory_space<vmem_shared>>) target(%arg11 : memref<128x128xf32, #tpu.memory_space<vmem>>) offsets(%dma_start3A_196 : memref<128xi32, #tpu.memory_space<vmem>>) semaphore(%arg17 : memref<!tpu.dma_semaphore, #tpu.memory_space<semaphore_mem>>)
    %dma_wait3A_200 = arith.constant 4 : i32
    %dma_wait3A_201 = arith.constant 0 : i32
    %dma_wait3A_202 = tpu.memref_slice %arg8[%dma_wait3A_200, %dma_wait3A_201] : memref<16x128xi32, #tpu.memory_space<vmem>> -> memref<1x128xi32, #tpu.memory_space<vmem>>
    %dma_wait3A_203 = tpu.memref_squeeze %dma_wait3A_202 : memref<1x128xi32, #tpu.memory_space<vmem>> -> memref<128xi32, #tpu.memory_space<vmem>>
    %dma_wait3A_204 = arith.constant 0 : i32
    %dma_wait3A_205 = arith.constant 0 : i32
    %dma_wait3A_206 = tpu.memref_slice %arg14[%dma_wait3A_204, %dma_wait3A_205] : memref<256x128xf32, #tpu.memory_space<vmem_shared>> -> memref<256x128xf32, #tpu.memory_space<vmem_shared>>
    tpu.wait_indirect_dma semaphore(%arg19 : memref<!tpu.dma_semaphore, #tpu.memory_space<semaphore_mem>>) src(%dma_wait3A_206 : memref<256x128xf32, #tpu.memory_space<vmem_shared>>) dst(%arg9 : memref<128x128xf32, #tpu.memory_space<vmem>>)
    %add3A_207 = arith.constant 512 : i32
    %add3A_208 = arith.addi %mul3A_2, %add3A_207 : i32
    %dma_start3A_209 = arith.constant 0 : i32
    %dma_start3A_210 = tpu.memref_slice %arg6[%add3A_208, %dma_start3A_209] : memref<65536x128xf32, #tpu.memory_space<hbm>> -> memref<128x128xf32, #tpu.memory_space<hbm>>
    %dma_start3A_211 = arith.constant 0 : i32
    %dma_start3A_212 = tpu.memref_slice %arg6[%add3A_208, %dma_start3A_211] : memref<65536x128xf32, #tpu.memory_space<hbm>> -> memref<128x128xf32, #tpu.memory_space<hbm>>
    tpu.enqueue_dma source(%arg9 : memref<128x128xf32, #tpu.memory_space<vmem>>) target(%dma_start3A_212 : memref<128x128xf32, #tpu.memory_space<hbm>>) target_semaphore(%arg23 : memref<!tpu.dma_semaphore, #tpu.memory_space<semaphore_mem>>)
    %dma_wait3A_213 = arith.constant 6 : i32
    %dma_wait3A_214 = arith.constant 0 : i32
    %dma_wait3A_215 = tpu.memref_slice %arg7[%dma_wait3A_213, %dma_wait3A_214] : memref<16x128xi32, #tpu.memory_space<vmem>> -> memref<1x128xi32, #tpu.memory_space<vmem>>
    %dma_wait3A_216 = tpu.memref_squeeze %dma_wait3A_215 : memref<1x128xi32, #tpu.memory_space<vmem>> -> memref<128xi32, #tpu.memory_space<vmem>>
    %dma_wait3A_217 = arith.constant 0 : i32
    %dma_wait3A_218 = arith.constant 0 : i32
    %dma_wait3A_219 = tpu.memref_slice %arg13[%dma_wait3A_217, %dma_wait3A_218] : memref<256x128xf32, #tpu.memory_space<vmem_shared>> -> memref<256x128xf32, #tpu.memory_space<vmem_shared>>
    tpu.wait_indirect_dma semaphore(%arg17 : memref<!tpu.dma_semaphore, #tpu.memory_space<semaphore_mem>>) src(%dma_wait3A_219 : memref<256x128xf32, #tpu.memory_space<vmem_shared>>) dst(%arg11 : memref<128x128xf32, #tpu.memory_space<vmem>>)
    %dma_start3A_220 = arith.constant 6 : i32
    %dma_start3A_221 = arith.constant 0 : i32
    %dma_start3A_222 = tpu.memref_slice %arg8[%dma_start3A_220, %dma_start3A_221] : memref<16x128xi32, #tpu.memory_space<vmem>> -> memref<1x128xi32, #tpu.memory_space<vmem>>
    %dma_start3A_223 = tpu.memref_squeeze %dma_start3A_222 : memref<1x128xi32, #tpu.memory_space<vmem>> -> memref<128xi32, #tpu.memory_space<vmem>>
    %dma_start3A_224 = arith.constant 0 : i32
    %dma_start3A_225 = arith.constant 0 : i32
    %dma_start3A_226 = tpu.memref_slice %arg14[%dma_start3A_224, %dma_start3A_225] : memref<256x128xf32, #tpu.memory_space<vmem_shared>> -> memref<256x128xf32, #tpu.memory_space<vmem_shared>>
    tpu.enqueue_indirect_dma source(%dma_start3A_226 : memref<256x128xf32, #tpu.memory_space<vmem_shared>>) target(%arg11 : memref<128x128xf32, #tpu.memory_space<vmem>>) offsets(%dma_start3A_223 : memref<128xi32, #tpu.memory_space<vmem>>) semaphore(%arg21 : memref<!tpu.dma_semaphore, #tpu.memory_space<semaphore_mem>>) {add = true}
    %dma_wait3A_227 = arith.constant 0 : i32
    %dma_wait3A_228 = tpu.memref_slice %arg6[%add3A_170, %dma_wait3A_227] : memref<65536x128xf32, #tpu.memory_space<hbm>> -> memref<128x128xf32, #tpu.memory_space<hbm>>
    %dma_wait3A_229 = arith.constant 0 : i32
    %dma_wait3A_230 = tpu.memref_slice %arg6[%add3A_170, %dma_wait3A_229] : memref<65536x128xf32, #tpu.memory_space<hbm>> -> memref<128x128xf32, #tpu.memory_space<hbm>>
    tpu.wait_dma2 semaphore(%arg26 : memref<!tpu.dma_semaphore, #tpu.memory_space<semaphore_mem>>) src(%arg12 : memref<128x128xf32, #tpu.memory_space<vmem>>) dst(%dma_wait3A_230 : memref<128x128xf32, #tpu.memory_space<hbm>>)
    %dma_start3A_231 = arith.constant 7 : i32
    %dma_start3A_232 = arith.constant 0 : i32
    %dma_start3A_233 = tpu.memref_slice %arg7[%dma_start3A_231, %dma_start3A_232] : memref<16x128xi32, #tpu.memory_space<vmem>> -> memref<1x128xi32, #tpu.memory_space<vmem>>
    %dma_start3A_234 = tpu.memref_squeeze %dma_start3A_233 : memref<1x128xi32, #tpu.memory_space<vmem>> -> memref<128xi32, #tpu.memory_space<vmem>>
    %dma_start3A_235 = arith.constant 0 : i32
    %dma_start3A_236 = arith.constant 0 : i32
    %dma_start3A_237 = tpu.memref_slice %arg13[%dma_start3A_235, %dma_start3A_236] : memref<256x128xf32, #tpu.memory_space<vmem_shared>> -> memref<256x128xf32, #tpu.memory_space<vmem_shared>>
    tpu.enqueue_indirect_dma source(%dma_start3A_237 : memref<256x128xf32, #tpu.memory_space<vmem_shared>>) target(%arg12 : memref<128x128xf32, #tpu.memory_space<vmem>>) offsets(%dma_start3A_234 : memref<128xi32, #tpu.memory_space<vmem>>) semaphore(%arg18 : memref<!tpu.dma_semaphore, #tpu.memory_space<semaphore_mem>>)
    %dma_wait3A_238 = arith.constant 5 : i32
    %dma_wait3A_239 = arith.constant 0 : i32
    %dma_wait3A_240 = tpu.memref_slice %arg8[%dma_wait3A_238, %dma_wait3A_239] : memref<16x128xi32, #tpu.memory_space<vmem>> -> memref<1x128xi32, #tpu.memory_space<vmem>>
    %dma_wait3A_241 = tpu.memref_squeeze %dma_wait3A_240 : memref<1x128xi32, #tpu.memory_space<vmem>> -> memref<128xi32, #tpu.memory_space<vmem>>
    %dma_wait3A_242 = arith.constant 0 : i32
    %dma_wait3A_243 = arith.constant 0 : i32
    %dma_wait3A_244 = tpu.memref_slice %arg14[%dma_wait3A_242, %dma_wait3A_243] : memref<256x128xf32, #tpu.memory_space<vmem_shared>> -> memref<256x128xf32, #tpu.memory_space<vmem_shared>>
    tpu.wait_indirect_dma semaphore(%arg20 : memref<!tpu.dma_semaphore, #tpu.memory_space<semaphore_mem>>) src(%dma_wait3A_244 : memref<256x128xf32, #tpu.memory_space<vmem_shared>>) dst(%arg10 : memref<128x128xf32, #tpu.memory_space<vmem>>)
    %add3A_245 = arith.constant 640 : i32
    %add3A_246 = arith.addi %mul3A_2, %add3A_245 : i32
    %dma_start3A_247 = arith.constant 0 : i32
    %dma_start3A_248 = tpu.memref_slice %arg6[%add3A_246, %dma_start3A_247] : memref<65536x128xf32, #tpu.memory_space<hbm>> -> memref<128x128xf32, #tpu.memory_space<hbm>>
    %dma_start3A_249 = arith.constant 0 : i32
    %dma_start3A_250 = tpu.memref_slice %arg6[%add3A_246, %dma_start3A_249] : memref<65536x128xf32, #tpu.memory_space<hbm>> -> memref<128x128xf32, #tpu.memory_space<hbm>>
    tpu.enqueue_dma source(%arg10 : memref<128x128xf32, #tpu.memory_space<vmem>>) target(%dma_start3A_250 : memref<128x128xf32, #tpu.memory_space<hbm>>) target_semaphore(%arg24 : memref<!tpu.dma_semaphore, #tpu.memory_space<semaphore_mem>>)
    %dma_wait3A_251 = arith.constant 7 : i32
    %dma_wait3A_252 = arith.constant 0 : i32
    %dma_wait3A_253 = tpu.memref_slice %arg7[%dma_wait3A_251, %dma_wait3A_252] : memref<16x128xi32, #tpu.memory_space<vmem>> -> memref<1x128xi32, #tpu.memory_space<vmem>>
    %dma_wait3A_254 = tpu.memref_squeeze %dma_wait3A_253 : memref<1x128xi32, #tpu.memory_space<vmem>> -> memref<128xi32, #tpu.memory_space<vmem>>
    %dma_wait3A_255 = arith.constant 0 : i32
    %dma_wait3A_256 = arith.constant 0 : i32
    %dma_wait3A_257 = tpu.memref_slice %arg13[%dma_wait3A_255, %dma_wait3A_256] : memref<256x128xf32, #tpu.memory_space<vmem_shared>> -> memref<256x128xf32, #tpu.memory_space<vmem_shared>>
    tpu.wait_indirect_dma semaphore(%arg18 : memref<!tpu.dma_semaphore, #tpu.memory_space<semaphore_mem>>) src(%dma_wait3A_257 : memref<256x128xf32, #tpu.memory_space<vmem_shared>>) dst(%arg12 : memref<128x128xf32, #tpu.memory_space<vmem>>)
    %dma_start3A_258 = arith.constant 7 : i32
    %dma_start3A_259 = arith.constant 0 : i32
    %dma_start3A_260 = tpu.memref_slice %arg8[%dma_start3A_258, %dma_start3A_259] : memref<16x128xi32, #tpu.memory_space<vmem>> -> memref<1x128xi32, #tpu.memory_space<vmem>>
    %dma_start3A_261 = tpu.memref_squeeze %dma_start3A_260 : memref<1x128xi32, #tpu.memory_space<vmem>> -> memref<128xi32, #tpu.memory_space<vmem>>
    %dma_start3A_262 = arith.constant 0 : i32
    %dma_start3A_263 = arith.constant 0 : i32
    %dma_start3A_264 = tpu.memref_slice %arg14[%dma_start3A_262, %dma_start3A_263] : memref<256x128xf32, #tpu.memory_space<vmem_shared>> -> memref<256x128xf32, #tpu.memory_space<vmem_shared>>
    tpu.enqueue_indirect_dma source(%dma_start3A_264 : memref<256x128xf32, #tpu.memory_space<vmem_shared>>) target(%arg12 : memref<128x128xf32, #tpu.memory_space<vmem>>) offsets(%dma_start3A_261 : memref<128xi32, #tpu.memory_space<vmem>>) semaphore(%arg22 : memref<!tpu.dma_semaphore, #tpu.memory_space<semaphore_mem>>) {add = true}
    %dma_wait3A_265 = arith.constant 0 : i32
    %dma_wait3A_266 = tpu.memref_slice %arg6[%add3A_208, %dma_wait3A_265] : memref<65536x128xf32, #tpu.memory_space<hbm>> -> memref<128x128xf32, #tpu.memory_space<hbm>>
    %dma_wait3A_267 = arith.constant 0 : i32
    %dma_wait3A_268 = tpu.memref_slice %arg6[%add3A_208, %dma_wait3A_267] : memref<65536x128xf32, #tpu.memory_space<hbm>> -> memref<128x128xf32, #tpu.memory_space<hbm>>
    tpu.wait_dma2 semaphore(%arg23 : memref<!tpu.dma_semaphore, #tpu.memory_space<semaphore_mem>>) src(%arg9 : memref<128x128xf32, #tpu.memory_space<vmem>>) dst(%dma_wait3A_268 : memref<128x128xf32, #tpu.memory_space<hbm>>)
    %dma_start3A_269 = arith.constant 8 : i32
    %dma_start3A_270 = arith.constant 0 : i32
    %dma_start3A_271 = tpu.memref_slice %arg7[%dma_start3A_269, %dma_start3A_270] : memref<16x128xi32, #tpu.memory_space<vmem>> -> memref<1x128xi32, #tpu.memory_space<vmem>>
    %dma_start3A_272 = tpu.memref_squeeze %dma_start3A_271 : memref<1x128xi32, #tpu.memory_space<vmem>> -> memref<128xi32, #tpu.memory_space<vmem>>
    %dma_start3A_273 = arith.constant 0 : i32
    %dma_start3A_274 = arith.constant 0 : i32
    %dma_start3A_275 = tpu.memref_slice %arg13[%dma_start3A_273, %dma_start3A_274] : memref<256x128xf32, #tpu.memory_space<vmem_shared>> -> memref<256x128xf32, #tpu.memory_space<vmem_shared>>
    tpu.enqueue_indirect_dma source(%dma_start3A_275 : memref<256x128xf32, #tpu.memory_space<vmem_shared>>) target(%arg9 : memref<128x128xf32, #tpu.memory_space<vmem>>) offsets(%dma_start3A_272 : memref<128xi32, #tpu.memory_space<vmem>>) semaphore(%arg15 : memref<!tpu.dma_semaphore, #tpu.memory_space<semaphore_mem>>)
    %dma_wait3A_276 = arith.constant 6 : i32
    %dma_wait3A_277 = arith.constant 0 : i32
    %dma_wait3A_278 = tpu.memref_slice %arg8[%dma_wait3A_276, %dma_wait3A_277] : memref<16x128xi32, #tpu.memory_space<vmem>> -> memref<1x128xi32, #tpu.memory_space<vmem>>
    %dma_wait3A_279 = tpu.memref_squeeze %dma_wait3A_278 : memref<1x128xi32, #tpu.memory_space<vmem>> -> memref<128xi32, #tpu.memory_space<vmem>>
    %dma_wait3A_280 = arith.constant 0 : i32
    %dma_wait3A_281 = arith.constant 0 : i32
    %dma_wait3A_282 = tpu.memref_slice %arg14[%dma_wait3A_280, %dma_wait3A_281] : memref<256x128xf32, #tpu.memory_space<vmem_shared>> -> memref<256x128xf32, #tpu.memory_space<vmem_shared>>
    tpu.wait_indirect_dma semaphore(%arg21 : memref<!tpu.dma_semaphore, #tpu.memory_space<semaphore_mem>>) src(%dma_wait3A_282 : memref<256x128xf32, #tpu.memory_space<vmem_shared>>) dst(%arg11 : memref<128x128xf32, #tpu.memory_space<vmem>>)
    %add3A_283 = arith.constant 768 : i32
    %add3A_284 = arith.addi %mul3A_2, %add3A_283 : i32
    %dma_start3A_285 = arith.constant 0 : i32
    %dma_start3A_286 = tpu.memref_slice %arg6[%add3A_284, %dma_start3A_285] : memref<65536x128xf32, #tpu.memory_space<hbm>> -> memref<128x128xf32, #tpu.memory_space<hbm>>
    %dma_start3A_287 = arith.constant 0 : i32
    %dma_start3A_288 = tpu.memref_slice %arg6[%add3A_284, %dma_start3A_287] : memref<65536x128xf32, #tpu.memory_space<hbm>> -> memref<128x128xf32, #tpu.memory_space<hbm>>
    tpu.enqueue_dma source(%arg11 : memref<128x128xf32, #tpu.memory_space<vmem>>) target(%dma_start3A_288 : memref<128x128xf32, #tpu.memory_space<hbm>>) target_semaphore(%arg25 : memref<!tpu.dma_semaphore, #tpu.memory_space<semaphore_mem>>)
    %dma_wait3A_289 = arith.constant 8 : i32
    %dma_wait3A_290 = arith.constant 0 : i32
    %dma_wait3A_291 = tpu.memref_slice %arg7[%dma_wait3A_289, %dma_wait3A_290] : memref<16x128xi32, #tpu.memory_space<vmem>> -> memref<1x128xi32, #tpu.memory_space<vmem>>
    %dma_wait3A_292 = tpu.memref_squeeze %dma_wait3A_291 : memref<1x128xi32, #tpu.memory_space<vmem>> -> memref<128xi32, #tpu.memory_space<vmem>>
    %dma_wait3A_293 = arith.constant 0 : i32
    %dma_wait3A_294 = arith.constant 0 : i32
    %dma_wait3A_295 = tpu.memref_slice %arg13[%dma_wait3A_293, %dma_wait3A_294] : memref<256x128xf32, #tpu.memory_space<vmem_shared>> -> memref<256x128xf32, #tpu.memory_space<vmem_shared>>
    tpu.wait_indirect_dma semaphore(%arg15 : memref<!tpu.dma_semaphore, #tpu.memory_space<semaphore_mem>>) src(%dma_wait3A_295 : memref<256x128xf32, #tpu.memory_space<vmem_shared>>) dst(%arg9 : memref<128x128xf32, #tpu.memory_space<vmem>>)
    %dma_start3A_296 = arith.constant 8 : i32
    %dma_start3A_297 = arith.constant 0 : i32
    %dma_start3A_298 = tpu.memref_slice %arg8[%dma_start3A_296, %dma_start3A_297] : memref<16x128xi32, #tpu.memory_space<vmem>> -> memref<1x128xi32, #tpu.memory_space<vmem>>
    %dma_start3A_299 = tpu.memref_squeeze %dma_start3A_298 : memref<1x128xi32, #tpu.memory_space<vmem>> -> memref<128xi32, #tpu.memory_space<vmem>>
    %dma_start3A_300 = arith.constant 0 : i32
    %dma_start3A_301 = arith.constant 0 : i32
    %dma_start3A_302 = tpu.memref_slice %arg14[%dma_start3A_300, %dma_start3A_301] : memref<256x128xf32, #tpu.memory_space<vmem_shared>> -> memref<256x128xf32, #tpu.memory_space<vmem_shared>>
    tpu.enqueue_indirect_dma source(%dma_start3A_302 : memref<256x128xf32, #tpu.memory_space<vmem_shared>>) target(%arg9 : memref<128x128xf32, #tpu.memory_space<vmem>>) offsets(%dma_start3A_299 : memref<128xi32, #tpu.memory_space<vmem>>) semaphore(%arg19 : memref<!tpu.dma_semaphore, #tpu.memory_space<semaphore_mem>>) {add = true}
    %dma_wait3A_303 = arith.constant 0 : i32
    %dma_wait3A_304 = tpu.memref_slice %arg6[%add3A_246, %dma_wait3A_303] : memref<65536x128xf32, #tpu.memory_space<hbm>> -> memref<128x128xf32, #tpu.memory_space<hbm>>
    %dma_wait3A_305 = arith.constant 0 : i32
    %dma_wait3A_306 = tpu.memref_slice %arg6[%add3A_246, %dma_wait3A_305] : memref<65536x128xf32, #tpu.memory_space<hbm>> -> memref<128x128xf32, #tpu.memory_space<hbm>>
    tpu.wait_dma2 semaphore(%arg24 : memref<!tpu.dma_semaphore, #tpu.memory_space<semaphore_mem>>) src(%arg10 : memref<128x128xf32, #tpu.memory_space<vmem>>) dst(%dma_wait3A_306 : memref<128x128xf32, #tpu.memory_space<hbm>>)
    %dma_start3A_307 = arith.constant 9 : i32
    %dma_start3A_308 = arith.constant 0 : i32
    %dma_start3A_309 = tpu.memref_slice %arg7[%dma_start3A_307, %dma_start3A_308] : memref<16x128xi32, #tpu.memory_space<vmem>> -> memref<1x128xi32, #tpu.memory_space<vmem>>
    %dma_start3A_310 = tpu.memref_squeeze %dma_start3A_309 : memref<1x128xi32, #tpu.memory_space<vmem>> -> memref<128xi32, #tpu.memory_space<vmem>>
    %dma_start3A_311 = arith.constant 0 : i32
    %dma_start3A_312 = arith.constant 0 : i32
    %dma_start3A_313 = tpu.memref_slice %arg13[%dma_start3A_311, %dma_start3A_312] : memref<256x128xf32, #tpu.memory_space<vmem_shared>> -> memref<256x128xf32, #tpu.memory_space<vmem_shared>>
    tpu.enqueue_indirect_dma source(%dma_start3A_313 : memref<256x128xf32, #tpu.memory_space<vmem_shared>>) target(%arg10 : memref<128x128xf32, #tpu.memory_space<vmem>>) offsets(%dma_start3A_310 : memref<128xi32, #tpu.memory_space<vmem>>) semaphore(%arg16 : memref<!tpu.dma_semaphore, #tpu.memory_space<semaphore_mem>>)
    %dma_wait3A_314 = arith.constant 7 : i32
    %dma_wait3A_315 = arith.constant 0 : i32
    %dma_wait3A_316 = tpu.memref_slice %arg8[%dma_wait3A_314, %dma_wait3A_315] : memref<16x128xi32, #tpu.memory_space<vmem>> -> memref<1x128xi32, #tpu.memory_space<vmem>>
    %dma_wait3A_317 = tpu.memref_squeeze %dma_wait3A_316 : memref<1x128xi32, #tpu.memory_space<vmem>> -> memref<128xi32, #tpu.memory_space<vmem>>
    %dma_wait3A_318 = arith.constant 0 : i32
    %dma_wait3A_319 = arith.constant 0 : i32
    %dma_wait3A_320 = tpu.memref_slice %arg14[%dma_wait3A_318, %dma_wait3A_319] : memref<256x128xf32, #tpu.memory_space<vmem_shared>> -> memref<256x128xf32, #tpu.memory_space<vmem_shared>>
    tpu.wait_indirect_dma semaphore(%arg22 : memref<!tpu.dma_semaphore, #tpu.memory_space<semaphore_mem>>) src(%dma_wait3A_320 : memref<256x128xf32, #tpu.memory_space<vmem_shared>>) dst(%arg12 : memref<128x128xf32, #tpu.memory_space<vmem>>)
    %add3A_321 = arith.constant 896 : i32
    %add3A_322 = arith.addi %mul3A_2, %add3A_321 : i32
    %dma_start3A_323 = arith.constant 0 : i32
    %dma_start3A_324 = tpu.memref_slice %arg6[%add3A_322, %dma_start3A_323] : memref<65536x128xf32, #tpu.memory_space<hbm>> -> memref<128x128xf32, #tpu.memory_space<hbm>>
    %dma_start3A_325 = arith.constant 0 : i32
    %dma_start3A_326 = tpu.memref_slice %arg6[%add3A_322, %dma_start3A_325] : memref<65536x128xf32, #tpu.memory_space<hbm>> -> memref<128x128xf32, #tpu.memory_space<hbm>>
    tpu.enqueue_dma source(%arg12 : memref<128x128xf32, #tpu.memory_space<vmem>>) target(%dma_start3A_326 : memref<128x128xf32, #tpu.memory_space<hbm>>) target_semaphore(%arg26 : memref<!tpu.dma_semaphore, #tpu.memory_space<semaphore_mem>>)
    %dma_wait3A_327 = arith.constant 9 : i32
    %dma_wait3A_328 = arith.constant 0 : i32
    %dma_wait3A_329 = tpu.memref_slice %arg7[%dma_wait3A_327, %dma_wait3A_328] : memref<16x128xi32, #tpu.memory_space<vmem>> -> memref<1x128xi32, #tpu.memory_space<vmem>>
    %dma_wait3A_330 = tpu.memref_squeeze %dma_wait3A_329 : memref<1x128xi32, #tpu.memory_space<vmem>> -> memref<128xi32, #tpu.memory_space<vmem>>
    %dma_wait3A_331 = arith.constant 0 : i32
    %dma_wait3A_332 = arith.constant 0 : i32
    %dma_wait3A_333 = tpu.memref_slice %arg13[%dma_wait3A_331, %dma_wait3A_332] : memref<256x128xf32, #tpu.memory_space<vmem_shared>> -> memref<256x128xf32, #tpu.memory_space<vmem_shared>>
    tpu.wait_indirect_dma semaphore(%arg16 : memref<!tpu.dma_semaphore, #tpu.memory_space<semaphore_mem>>) src(%dma_wait3A_333 : memref<256x128xf32, #tpu.memory_space<vmem_shared>>) dst(%arg10 : memref<128x128xf32, #tpu.memory_space<vmem>>)
    %dma_start3A_334 = arith.constant 9 : i32
    %dma_start3A_335 = arith.constant 0 : i32
    %dma_start3A_336 = tpu.memref_slice %arg8[%dma_start3A_334, %dma_start3A_335] : memref<16x128xi32, #tpu.memory_space<vmem>> -> memref<1x128xi32, #tpu.memory_space<vmem>>
    %dma_start3A_337 = tpu.memref_squeeze %dma_start3A_336 : memref<1x128xi32, #tpu.memory_space<vmem>> -> memref<128xi32, #tpu.memory_space<vmem>>
    %dma_start3A_338 = arith.constant 0 : i32
    %dma_start3A_339 = arith.constant 0 : i32
    %dma_start3A_340 = tpu.memref_slice %arg14[%dma_start3A_338, %dma_start3A_339] : memref<256x128xf32, #tpu.memory_space<vmem_shared>> -> memref<256x128xf32, #tpu.memory_space<vmem_shared>>
    tpu.enqueue_indirect_dma source(%dma_start3A_340 : memref<256x128xf32, #tpu.memory_space<vmem_shared>>) target(%arg10 : memref<128x128xf32, #tpu.memory_space<vmem>>) offsets(%dma_start3A_337 : memref<128xi32, #tpu.memory_space<vmem>>) semaphore(%arg20 : memref<!tpu.dma_semaphore, #tpu.memory_space<semaphore_mem>>) {add = true}
    %dma_wait3A_341 = arith.constant 0 : i32
    %dma_wait3A_342 = tpu.memref_slice %arg6[%add3A_284, %dma_wait3A_341] : memref<65536x128xf32, #tpu.memory_space<hbm>> -> memref<128x128xf32, #tpu.memory_space<hbm>>
    %dma_wait3A_343 = arith.constant 0 : i32
    %dma_wait3A_344 = tpu.memref_slice %arg6[%add3A_284, %dma_wait3A_343] : memref<65536x128xf32, #tpu.memory_space<hbm>> -> memref<128x128xf32, #tpu.memory_space<hbm>>
    tpu.wait_dma2 semaphore(%arg25 : memref<!tpu.dma_semaphore, #tpu.memory_space<semaphore_mem>>) src(%arg11 : memref<128x128xf32, #tpu.memory_space<vmem>>) dst(%dma_wait3A_344 : memref<128x128xf32, #tpu.memory_space<hbm>>)
    %dma_start3A_345 = arith.constant 10 : i32
    %dma_start3A_346 = arith.constant 0 : i32
    %dma_start3A_347 = tpu.memref_slice %arg7[%dma_start3A_345, %dma_start3A_346] : memref<16x128xi32, #tpu.memory_space<vmem>> -> memref<1x128xi32, #tpu.memory_space<vmem>>
    %dma_start3A_348 = tpu.memref_squeeze %dma_start3A_347 : memref<1x128xi32, #tpu.memory_space<vmem>> -> memref<128xi32, #tpu.memory_space<vmem>>
    %dma_start3A_349 = arith.constant 0 : i32
    %dma_start3A_350 = arith.constant 0 : i32
    %dma_start3A_351 = tpu.memref_slice %arg13[%dma_start3A_349, %dma_start3A_350] : memref<256x128xf32, #tpu.memory_space<vmem_shared>> -> memref<256x128xf32, #tpu.memory_space<vmem_shared>>
    tpu.enqueue_indirect_dma source(%dma_start3A_351 : memref<256x128xf32, #tpu.memory_space<vmem_shared>>) target(%arg11 : memref<128x128xf32, #tpu.memory_space<vmem>>) offsets(%dma_start3A_348 : memref<128xi32, #tpu.memory_space<vmem>>) semaphore(%arg17 : memref<!tpu.dma_semaphore, #tpu.memory_space<semaphore_mem>>)
    %dma_wait3A_352 = arith.constant 8 : i32
    %dma_wait3A_353 = arith.constant 0 : i32
    %dma_wait3A_354 = tpu.memref_slice %arg8[%dma_wait3A_352, %dma_wait3A_353] : memref<16x128xi32, #tpu.memory_space<vmem>> -> memref<1x128xi32, #tpu.memory_space<vmem>>
    %dma_wait3A_355 = tpu.memref_squeeze %dma_wait3A_354 : memref<1x128xi32, #tpu.memory_space<vmem>> -> memref<128xi32, #tpu.memory_space<vmem>>
    %dma_wait3A_356 = arith.constant 0 : i32
    %dma_wait3A_357 = arith.constant 0 : i32
    %dma_wait3A_358 = tpu.memref_slice %arg14[%dma_wait3A_356, %dma_wait3A_357] : memref<256x128xf32, #tpu.memory_space<vmem_shared>> -> memref<256x128xf32, #tpu.memory_space<vmem_shared>>
    tpu.wait_indirect_dma semaphore(%arg19 : memref<!tpu.dma_semaphore, #tpu.memory_space<semaphore_mem>>) src(%dma_wait3A_358 : memref<256x128xf32, #tpu.memory_space<vmem_shared>>) dst(%arg9 : memref<128x128xf32, #tpu.memory_space<vmem>>)
    %add3A_359 = arith.constant 1024 : i32
    %add3A_360 = arith.addi %mul3A_2, %add3A_359 : i32
    %dma_start3A_361 = arith.constant 0 : i32
    %dma_start3A_362 = tpu.memref_slice %arg6[%add3A_360, %dma_start3A_361] : memref<65536x128xf32, #tpu.memory_space<hbm>> -> memref<128x128xf32, #tpu.memory_space<hbm>>
    %dma_start3A_363 = arith.constant 0 : i32
    %dma_start3A_364 = tpu.memref_slice %arg6[%add3A_360, %dma_start3A_363] : memref<65536x128xf32, #tpu.memory_space<hbm>> -> memref<128x128xf32, #tpu.memory_space<hbm>>
    tpu.enqueue_dma source(%arg9 : memref<128x128xf32, #tpu.memory_space<vmem>>) target(%dma_start3A_364 : memref<128x128xf32, #tpu.memory_space<hbm>>) target_semaphore(%arg23 : memref<!tpu.dma_semaphore, #tpu.memory_space<semaphore_mem>>)
    %dma_wait3A_365 = arith.constant 10 : i32
    %dma_wait3A_366 = arith.constant 0 : i32
    %dma_wait3A_367 = tpu.memref_slice %arg7[%dma_wait3A_365, %dma_wait3A_366] : memref<16x128xi32, #tpu.memory_space<vmem>> -> memref<1x128xi32, #tpu.memory_space<vmem>>
    %dma_wait3A_368 = tpu.memref_squeeze %dma_wait3A_367 : memref<1x128xi32, #tpu.memory_space<vmem>> -> memref<128xi32, #tpu.memory_space<vmem>>
    %dma_wait3A_369 = arith.constant 0 : i32
    %dma_wait3A_370 = arith.constant 0 : i32
    %dma_wait3A_371 = tpu.memref_slice %arg13[%dma_wait3A_369, %dma_wait3A_370] : memref<256x128xf32, #tpu.memory_space<vmem_shared>> -> memref<256x128xf32, #tpu.memory_space<vmem_shared>>
    tpu.wait_indirect_dma semaphore(%arg17 : memref<!tpu.dma_semaphore, #tpu.memory_space<semaphore_mem>>) src(%dma_wait3A_371 : memref<256x128xf32, #tpu.memory_space<vmem_shared>>) dst(%arg11 : memref<128x128xf32, #tpu.memory_space<vmem>>)
    %dma_start3A_372 = arith.constant 10 : i32
    %dma_start3A_373 = arith.constant 0 : i32
    %dma_start3A_374 = tpu.memref_slice %arg8[%dma_start3A_372, %dma_start3A_373] : memref<16x128xi32, #tpu.memory_space<vmem>> -> memref<1x128xi32, #tpu.memory_space<vmem>>
    %dma_start3A_375 = tpu.memref_squeeze %dma_start3A_374 : memref<1x128xi32, #tpu.memory_space<vmem>> -> memref<128xi32, #tpu.memory_space<vmem>>
    %dma_start3A_376 = arith.constant 0 : i32
    %dma_start3A_377 = arith.constant 0 : i32
    %dma_start3A_378 = tpu.memref_slice %arg14[%dma_start3A_376, %dma_start3A_377] : memref<256x128xf32, #tpu.memory_space<vmem_shared>> -> memref<256x128xf32, #tpu.memory_space<vmem_shared>>
    tpu.enqueue_indirect_dma source(%dma_start3A_378 : memref<256x128xf32, #tpu.memory_space<vmem_shared>>) target(%arg11 : memref<128x128xf32, #tpu.memory_space<vmem>>) offsets(%dma_start3A_375 : memref<128xi32, #tpu.memory_space<vmem>>) semaphore(%arg21 : memref<!tpu.dma_semaphore, #tpu.memory_space<semaphore_mem>>) {add = true}
    %dma_wait3A_379 = arith.constant 0 : i32
    %dma_wait3A_380 = tpu.memref_slice %arg6[%add3A_322, %dma_wait3A_379] : memref<65536x128xf32, #tpu.memory_space<hbm>> -> memref<128x128xf32, #tpu.memory_space<hbm>>
    %dma_wait3A_381 = arith.constant 0 : i32
    %dma_wait3A_382 = tpu.memref_slice %arg6[%add3A_322, %dma_wait3A_381] : memref<65536x128xf32, #tpu.memory_space<hbm>> -> memref<128x128xf32, #tpu.memory_space<hbm>>
    tpu.wait_dma2 semaphore(%arg26 : memref<!tpu.dma_semaphore, #tpu.memory_space<semaphore_mem>>) src(%arg12 : memref<128x128xf32, #tpu.memory_space<vmem>>) dst(%dma_wait3A_382 : memref<128x128xf32, #tpu.memory_space<hbm>>)
    %dma_start3A_383 = arith.constant 11 : i32
    %dma_start3A_384 = arith.constant 0 : i32
    %dma_start3A_385 = tpu.memref_slice %arg7[%dma_start3A_383, %dma_start3A_384] : memref<16x128xi32, #tpu.memory_space<vmem>> -> memref<1x128xi32, #tpu.memory_space<vmem>>
    %dma_start3A_386 = tpu.memref_squeeze %dma_start3A_385 : memref<1x128xi32, #tpu.memory_space<vmem>> -> memref<128xi32, #tpu.memory_space<vmem>>
    %dma_start3A_387 = arith.constant 0 : i32
    %dma_start3A_388 = arith.constant 0 : i32
    %dma_start3A_389 = tpu.memref_slice %arg13[%dma_start3A_387, %dma_start3A_388] : memref<256x128xf32, #tpu.memory_space<vmem_shared>> -> memref<256x128xf32, #tpu.memory_space<vmem_shared>>
    tpu.enqueue_indirect_dma source(%dma_start3A_389 : memref<256x128xf32, #tpu.memory_space<vmem_shared>>) target(%arg12 : memref<128x128xf32, #tpu.memory_space<vmem>>) offsets(%dma_start3A_386 : memref<128xi32, #tpu.memory_space<vmem>>) semaphore(%arg18 : memref<!tpu.dma_semaphore, #tpu.memory_space<semaphore_mem>>)
    %dma_wait3A_390 = arith.constant 9 : i32
    %dma_wait3A_391 = arith.constant 0 : i32
    %dma_wait3A_392 = tpu.memref_slice %arg8[%dma_wait3A_390, %dma_wait3A_391] : memref<16x128xi32, #tpu.memory_space<vmem>> -> memref<1x128xi32, #tpu.memory_space<vmem>>
    %dma_wait3A_393 = tpu.memref_squeeze %dma_wait3A_392 : memref<1x128xi32, #tpu.memory_space<vmem>> -> memref<128xi32, #tpu.memory_space<vmem>>
    %dma_wait3A_394 = arith.constant 0 : i32
    %dma_wait3A_395 = arith.constant 0 : i32
    %dma_wait3A_396 = tpu.memref_slice %arg14[%dma_wait3A_394, %dma_wait3A_395] : memref<256x128xf32, #tpu.memory_space<vmem_shared>> -> memref<256x128xf32, #tpu.memory_space<vmem_shared>>
    tpu.wait_indirect_dma semaphore(%arg20 : memref<!tpu.dma_semaphore, #tpu.memory_space<semaphore_mem>>) src(%dma_wait3A_396 : memref<256x128xf32, #tpu.memory_space<vmem_shared>>) dst(%arg10 : memref<128x128xf32, #tpu.memory_space<vmem>>)
    %add3A_397 = arith.constant 1152 : i32
    %add3A_398 = arith.addi %mul3A_2, %add3A_397 : i32
    %dma_start3A_399 = arith.constant 0 : i32
    %dma_start3A_400 = tpu.memref_slice %arg6[%add3A_398, %dma_start3A_399] : memref<65536x128xf32, #tpu.memory_space<hbm>> -> memref<128x128xf32, #tpu.memory_space<hbm>>
    %dma_start3A_401 = arith.constant 0 : i32
    %dma_start3A_402 = tpu.memref_slice %arg6[%add3A_398, %dma_start3A_401] : memref<65536x128xf32, #tpu.memory_space<hbm>> -> memref<128x128xf32, #tpu.memory_space<hbm>>
    tpu.enqueue_dma source(%arg10 : memref<128x128xf32, #tpu.memory_space<vmem>>) target(%dma_start3A_402 : memref<128x128xf32, #tpu.memory_space<hbm>>) target_semaphore(%arg24 : memref<!tpu.dma_semaphore, #tpu.memory_space<semaphore_mem>>)
    %dma_wait3A_403 = arith.constant 11 : i32
    %dma_wait3A_404 = arith.constant 0 : i32
    %dma_wait3A_405 = tpu.memref_slice %arg7[%dma_wait3A_403, %dma_wait3A_404] : memref<16x128xi32, #tpu.memory_space<vmem>> -> memref<1x128xi32, #tpu.memory_space<vmem>>
    %dma_wait3A_406 = tpu.memref_squeeze %dma_wait3A_405 : memref<1x128xi32, #tpu.memory_space<vmem>> -> memref<128xi32, #tpu.memory_space<vmem>>
    %dma_wait3A_407 = arith.constant 0 : i32
    %dma_wait3A_408 = arith.constant 0 : i32
    %dma_wait3A_409 = tpu.memref_slice %arg13[%dma_wait3A_407, %dma_wait3A_408] : memref<256x128xf32, #tpu.memory_space<vmem_shared>> -> memref<256x128xf32, #tpu.memory_space<vmem_shared>>
    tpu.wait_indirect_dma semaphore(%arg18 : memref<!tpu.dma_semaphore, #tpu.memory_space<semaphore_mem>>) src(%dma_wait3A_409 : memref<256x128xf32, #tpu.memory_space<vmem_shared>>) dst(%arg12 : memref<128x128xf32, #tpu.memory_space<vmem>>)
    %dma_start3A_410 = arith.constant 11 : i32
    %dma_start3A_411 = arith.constant 0 : i32
    %dma_start3A_412 = tpu.memref_slice %arg8[%dma_start3A_410, %dma_start3A_411] : memref<16x128xi32, #tpu.memory_space<vmem>> -> memref<1x128xi32, #tpu.memory_space<vmem>>
    %dma_start3A_413 = tpu.memref_squeeze %dma_start3A_412 : memref<1x128xi32, #tpu.memory_space<vmem>> -> memref<128xi32, #tpu.memory_space<vmem>>
    %dma_start3A_414 = arith.constant 0 : i32
    %dma_start3A_415 = arith.constant 0 : i32
    %dma_start3A_416 = tpu.memref_slice %arg14[%dma_start3A_414, %dma_start3A_415] : memref<256x128xf32, #tpu.memory_space<vmem_shared>> -> memref<256x128xf32, #tpu.memory_space<vmem_shared>>
    tpu.enqueue_indirect_dma source(%dma_start3A_416 : memref<256x128xf32, #tpu.memory_space<vmem_shared>>) target(%arg12 : memref<128x128xf32, #tpu.memory_space<vmem>>) offsets(%dma_start3A_413 : memref<128xi32, #tpu.memory_space<vmem>>) semaphore(%arg22 : memref<!tpu.dma_semaphore, #tpu.memory_space<semaphore_mem>>) {add = true}
    %dma_wait3A_417 = arith.constant 0 : i32
    %dma_wait3A_418 = tpu.memref_slice %arg6[%add3A_360, %dma_wait3A_417] : memref<65536x128xf32, #tpu.memory_space<hbm>> -> memref<128x128xf32, #tpu.memory_space<hbm>>
    %dma_wait3A_419 = arith.constant 0 : i32
    %dma_wait3A_420 = tpu.memref_slice %arg6[%add3A_360, %dma_wait3A_419] : memref<65536x128xf32, #tpu.memory_space<hbm>> -> memref<128x128xf32, #tpu.memory_space<hbm>>
    tpu.wait_dma2 semaphore(%arg23 : memref<!tpu.dma_semaphore, #tpu.memory_space<semaphore_mem>>) src(%arg9 : memref<128x128xf32, #tpu.memory_space<vmem>>) dst(%dma_wait3A_420 : memref<128x128xf32, #tpu.memory_space<hbm>>)
    %dma_start3A_421 = arith.constant 12 : i32
    %dma_start3A_422 = arith.constant 0 : i32
    %dma_start3A_423 = tpu.memref_slice %arg7[%dma_start3A_421, %dma_start3A_422] : memref<16x128xi32, #tpu.memory_space<vmem>> -> memref<1x128xi32, #tpu.memory_space<vmem>>
    %dma_start3A_424 = tpu.memref_squeeze %dma_start3A_423 : memref<1x128xi32, #tpu.memory_space<vmem>> -> memref<128xi32, #tpu.memory_space<vmem>>
    %dma_start3A_425 = arith.constant 0 : i32
    %dma_start3A_426 = arith.constant 0 : i32
    %dma_start3A_427 = tpu.memref_slice %arg13[%dma_start3A_425, %dma_start3A_426] : memref<256x128xf32, #tpu.memory_space<vmem_shared>> -> memref<256x128xf32, #tpu.memory_space<vmem_shared>>
    tpu.enqueue_indirect_dma source(%dma_start3A_427 : memref<256x128xf32, #tpu.memory_space<vmem_shared>>) target(%arg9 : memref<128x128xf32, #tpu.memory_space<vmem>>) offsets(%dma_start3A_424 : memref<128xi32, #tpu.memory_space<vmem>>) semaphore(%arg15 : memref<!tpu.dma_semaphore, #tpu.memory_space<semaphore_mem>>)
    %dma_wait3A_428 = arith.constant 10 : i32
    %dma_wait3A_429 = arith.constant 0 : i32
    %dma_wait3A_430 = tpu.memref_slice %arg8[%dma_wait3A_428, %dma_wait3A_429] : memref<16x128xi32, #tpu.memory_space<vmem>> -> memref<1x128xi32, #tpu.memory_space<vmem>>
    %dma_wait3A_431 = tpu.memref_squeeze %dma_wait3A_430 : memref<1x128xi32, #tpu.memory_space<vmem>> -> memref<128xi32, #tpu.memory_space<vmem>>
    %dma_wait3A_432 = arith.constant 0 : i32
    %dma_wait3A_433 = arith.constant 0 : i32
    %dma_wait3A_434 = tpu.memref_slice %arg14[%dma_wait3A_432, %dma_wait3A_433] : memref<256x128xf32, #tpu.memory_space<vmem_shared>> -> memref<256x128xf32, #tpu.memory_space<vmem_shared>>
    tpu.wait_indirect_dma semaphore(%arg21 : memref<!tpu.dma_semaphore, #tpu.memory_space<semaphore_mem>>) src(%dma_wait3A_434 : memref<256x128xf32, #tpu.memory_space<vmem_shared>>) dst(%arg11 : memref<128x128xf32, #tpu.memory_space<vmem>>)
    %add3A_435 = arith.constant 1280 : i32
    %add3A_436 = arith.addi %mul3A_2, %add3A_435 : i32
    %dma_start3A_437 = arith.constant 0 : i32
    %dma_start3A_438 = tpu.memref_slice %arg6[%add3A_436, %dma_start3A_437] : memref<65536x128xf32, #tpu.memory_space<hbm>> -> memref<128x128xf32, #tpu.memory_space<hbm>>
    %dma_start3A_439 = arith.constant 0 : i32
    %dma_start3A_440 = tpu.memref_slice %arg6[%add3A_436, %dma_start3A_439] : memref<65536x128xf32, #tpu.memory_space<hbm>> -> memref<128x128xf32, #tpu.memory_space<hbm>>
    tpu.enqueue_dma source(%arg11 : memref<128x128xf32, #tpu.memory_space<vmem>>) target(%dma_start3A_440 : memref<128x128xf32, #tpu.memory_space<hbm>>) target_semaphore(%arg25 : memref<!tpu.dma_semaphore, #tpu.memory_space<semaphore_mem>>)
    %dma_wait3A_441 = arith.constant 12 : i32
    %dma_wait3A_442 = arith.constant 0 : i32
    %dma_wait3A_443 = tpu.memref_slice %arg7[%dma_wait3A_441, %dma_wait3A_442] : memref<16x128xi32, #tpu.memory_space<vmem>> -> memref<1x128xi32, #tpu.memory_space<vmem>>
    %dma_wait3A_444 = tpu.memref_squeeze %dma_wait3A_443 : memref<1x128xi32, #tpu.memory_space<vmem>> -> memref<128xi32, #tpu.memory_space<vmem>>
    %dma_wait3A_445 = arith.constant 0 : i32
    %dma_wait3A_446 = arith.constant 0 : i32
    %dma_wait3A_447 = tpu.memref_slice %arg13[%dma_wait3A_445, %dma_wait3A_446] : memref<256x128xf32, #tpu.memory_space<vmem_shared>> -> memref<256x128xf32, #tpu.memory_space<vmem_shared>>
    tpu.wait_indirect_dma semaphore(%arg15 : memref<!tpu.dma_semaphore, #tpu.memory_space<semaphore_mem>>) src(%dma_wait3A_447 : memref<256x128xf32, #tpu.memory_space<vmem_shared>>) dst(%arg9 : memref<128x128xf32, #tpu.memory_space<vmem>>)
    %dma_start3A_448 = arith.constant 12 : i32
    %dma_start3A_449 = arith.constant 0 : i32
    %dma_start3A_450 = tpu.memref_slice %arg8[%dma_start3A_448, %dma_start3A_449] : memref<16x128xi32, #tpu.memory_space<vmem>> -> memref<1x128xi32, #tpu.memory_space<vmem>>
    %dma_start3A_451 = tpu.memref_squeeze %dma_start3A_450 : memref<1x128xi32, #tpu.memory_space<vmem>> -> memref<128xi32, #tpu.memory_space<vmem>>
    %dma_start3A_452 = arith.constant 0 : i32
    %dma_start3A_453 = arith.constant 0 : i32
    %dma_start3A_454 = tpu.memref_slice %arg14[%dma_start3A_452, %dma_start3A_453] : memref<256x128xf32, #tpu.memory_space<vmem_shared>> -> memref<256x128xf32, #tpu.memory_space<vmem_shared>>
    tpu.enqueue_indirect_dma source(%dma_start3A_454 : memref<256x128xf32, #tpu.memory_space<vmem_shared>>) target(%arg9 : memref<128x128xf32, #tpu.memory_space<vmem>>) offsets(%dma_start3A_451 : memref<128xi32, #tpu.memory_space<vmem>>) semaphore(%arg19 : memref<!tpu.dma_semaphore, #tpu.memory_space<semaphore_mem>>) {add = true}
    %dma_wait3A_455 = arith.constant 0 : i32
    %dma_wait3A_456 = tpu.memref_slice %arg6[%add3A_398, %dma_wait3A_455] : memref<65536x128xf32, #tpu.memory_space<hbm>> -> memref<128x128xf32, #tpu.memory_space<hbm>>
    %dma_wait3A_457 = arith.constant 0 : i32
    %dma_wait3A_458 = tpu.memref_slice %arg6[%add3A_398, %dma_wait3A_457] : memref<65536x128xf32, #tpu.memory_space<hbm>> -> memref<128x128xf32, #tpu.memory_space<hbm>>
    tpu.wait_dma2 semaphore(%arg24 : memref<!tpu.dma_semaphore, #tpu.memory_space<semaphore_mem>>) src(%arg10 : memref<128x128xf32, #tpu.memory_space<vmem>>) dst(%dma_wait3A_458 : memref<128x128xf32, #tpu.memory_space<hbm>>)
    %dma_start3A_459 = arith.constant 13 : i32
    %dma_start3A_460 = arith.constant 0 : i32
    %dma_start3A_461 = tpu.memref_slice %arg7[%dma_start3A_459, %dma_start3A_460] : memref<16x128xi32, #tpu.memory_space<vmem>> -> memref<1x128xi32, #tpu.memory_space<vmem>>
    %dma_start3A_462 = tpu.memref_squeeze %dma_start3A_461 : memref<1x128xi32, #tpu.memory_space<vmem>> -> memref<128xi32, #tpu.memory_space<vmem>>
    %dma_start3A_463 = arith.constant 0 : i32
    %dma_start3A_464 = arith.constant 0 : i32
    %dma_start3A_465 = tpu.memref_slice %arg13[%dma_start3A_463, %dma_start3A_464] : memref<256x128xf32, #tpu.memory_space<vmem_shared>> -> memref<256x128xf32, #tpu.memory_space<vmem_shared>>
    tpu.enqueue_indirect_dma source(%dma_start3A_465 : memref<256x128xf32, #tpu.memory_space<vmem_shared>>) target(%arg10 : memref<128x128xf32, #tpu.memory_space<vmem>>) offsets(%dma_start3A_462 : memref<128xi32, #tpu.memory_space<vmem>>) semaphore(%arg16 : memref<!tpu.dma_semaphore, #tpu.memory_space<semaphore_mem>>)
    %dma_wait3A_466 = arith.constant 11 : i32
    %dma_wait3A_467 = arith.constant 0 : i32
    %dma_wait3A_468 = tpu.memref_slice %arg8[%dma_wait3A_466, %dma_wait3A_467] : memref<16x128xi32, #tpu.memory_space<vmem>> -> memref<1x128xi32, #tpu.memory_space<vmem>>
    %dma_wait3A_469 = tpu.memref_squeeze %dma_wait3A_468 : memref<1x128xi32, #tpu.memory_space<vmem>> -> memref<128xi32, #tpu.memory_space<vmem>>
    %dma_wait3A_470 = arith.constant 0 : i32
    %dma_wait3A_471 = arith.constant 0 : i32
    %dma_wait3A_472 = tpu.memref_slice %arg14[%dma_wait3A_470, %dma_wait3A_471] : memref<256x128xf32, #tpu.memory_space<vmem_shared>> -> memref<256x128xf32, #tpu.memory_space<vmem_shared>>
    tpu.wait_indirect_dma semaphore(%arg22 : memref<!tpu.dma_semaphore, #tpu.memory_space<semaphore_mem>>) src(%dma_wait3A_472 : memref<256x128xf32, #tpu.memory_space<vmem_shared>>) dst(%arg12 : memref<128x128xf32, #tpu.memory_space<vmem>>)
    %add3A_473 = arith.constant 1408 : i32
    %add3A_474 = arith.addi %mul3A_2, %add3A_473 : i32
    %dma_start3A_475 = arith.constant 0 : i32
    %dma_start3A_476 = tpu.memref_slice %arg6[%add3A_474, %dma_start3A_475] : memref<65536x128xf32, #tpu.memory_space<hbm>> -> memref<128x128xf32, #tpu.memory_space<hbm>>
    %dma_start3A_477 = arith.constant 0 : i32
    %dma_start3A_478 = tpu.memref_slice %arg6[%add3A_474, %dma_start3A_477] : memref<65536x128xf32, #tpu.memory_space<hbm>> -> memref<128x128xf32, #tpu.memory_space<hbm>>
    tpu.enqueue_dma source(%arg12 : memref<128x128xf32, #tpu.memory_space<vmem>>) target(%dma_start3A_478 : memref<128x128xf32, #tpu.memory_space<hbm>>) target_semaphore(%arg26 : memref<!tpu.dma_semaphore, #tpu.memory_space<semaphore_mem>>)
    %dma_wait3A_479 = arith.constant 13 : i32
    %dma_wait3A_480 = arith.constant 0 : i32
    %dma_wait3A_481 = tpu.memref_slice %arg7[%dma_wait3A_479, %dma_wait3A_480] : memref<16x128xi32, #tpu.memory_space<vmem>> -> memref<1x128xi32, #tpu.memory_space<vmem>>
    %dma_wait3A_482 = tpu.memref_squeeze %dma_wait3A_481 : memref<1x128xi32, #tpu.memory_space<vmem>> -> memref<128xi32, #tpu.memory_space<vmem>>
    %dma_wait3A_483 = arith.constant 0 : i32
    %dma_wait3A_484 = arith.constant 0 : i32
    %dma_wait3A_485 = tpu.memref_slice %arg13[%dma_wait3A_483, %dma_wait3A_484] : memref<256x128xf32, #tpu.memory_space<vmem_shared>> -> memref<256x128xf32, #tpu.memory_space<vmem_shared>>
    tpu.wait_indirect_dma semaphore(%arg16 : memref<!tpu.dma_semaphore, #tpu.memory_space<semaphore_mem>>) src(%dma_wait3A_485 : memref<256x128xf32, #tpu.memory_space<vmem_shared>>) dst(%arg10 : memref<128x128xf32, #tpu.memory_space<vmem>>)
    %dma_start3A_486 = arith.constant 13 : i32
    %dma_start3A_487 = arith.constant 0 : i32
    %dma_start3A_488 = tpu.memref_slice %arg8[%dma_start3A_486, %dma_start3A_487] : memref<16x128xi32, #tpu.memory_space<vmem>> -> memref<1x128xi32, #tpu.memory_space<vmem>>
    %dma_start3A_489 = tpu.memref_squeeze %dma_start3A_488 : memref<1x128xi32, #tpu.memory_space<vmem>> -> memref<128xi32, #tpu.memory_space<vmem>>
    %dma_start3A_490 = arith.constant 0 : i32
    %dma_start3A_491 = arith.constant 0 : i32
    %dma_start3A_492 = tpu.memref_slice %arg14[%dma_start3A_490, %dma_start3A_491] : memref<256x128xf32, #tpu.memory_space<vmem_shared>> -> memref<256x128xf32, #tpu.memory_space<vmem_shared>>
    tpu.enqueue_indirect_dma source(%dma_start3A_492 : memref<256x128xf32, #tpu.memory_space<vmem_shared>>) target(%arg10 : memref<128x128xf32, #tpu.memory_space<vmem>>) offsets(%dma_start3A_489 : memref<128xi32, #tpu.memory_space<vmem>>) semaphore(%arg20 : memref<!tpu.dma_semaphore, #tpu.memory_space<semaphore_mem>>) {add = true}
    %dma_wait3A_493 = arith.constant 0 : i32
    %dma_wait3A_494 = tpu.memref_slice %arg6[%add3A_436, %dma_wait3A_493] : memref<65536x128xf32, #tpu.memory_space<hbm>> -> memref<128x128xf32, #tpu.memory_space<hbm>>
    %dma_wait3A_495 = arith.constant 0 : i32
    %dma_wait3A_496 = tpu.memref_slice %arg6[%add3A_436, %dma_wait3A_495] : memref<65536x128xf32, #tpu.memory_space<hbm>> -> memref<128x128xf32, #tpu.memory_space<hbm>>
    tpu.wait_dma2 semaphore(%arg25 : memref<!tpu.dma_semaphore, #tpu.memory_space<semaphore_mem>>) src(%arg11 : memref<128x128xf32, #tpu.memory_space<vmem>>) dst(%dma_wait3A_496 : memref<128x128xf32, #tpu.memory_space<hbm>>)
    %dma_start3A_497 = arith.constant 14 : i32
    %dma_start3A_498 = arith.constant 0 : i32
    %dma_start3A_499 = tpu.memref_slice %arg7[%dma_start3A_497, %dma_start3A_498] : memref<16x128xi32, #tpu.memory_space<vmem>> -> memref<1x128xi32, #tpu.memory_space<vmem>>
    %dma_start3A_500 = tpu.memref_squeeze %dma_start3A_499 : memref<1x128xi32, #tpu.memory_space<vmem>> -> memref<128xi32, #tpu.memory_space<vmem>>
    %dma_start3A_501 = arith.constant 0 : i32
    %dma_start3A_502 = arith.constant 0 : i32
    %dma_start3A_503 = tpu.memref_slice %arg13[%dma_start3A_501, %dma_start3A_502] : memref<256x128xf32, #tpu.memory_space<vmem_shared>> -> memref<256x128xf32, #tpu.memory_space<vmem_shared>>
    tpu.enqueue_indirect_dma source(%dma_start3A_503 : memref<256x128xf32, #tpu.memory_space<vmem_shared>>) target(%arg11 : memref<128x128xf32, #tpu.memory_space<vmem>>) offsets(%dma_start3A_500 : memref<128xi32, #tpu.memory_space<vmem>>) semaphore(%arg17 : memref<!tpu.dma_semaphore, #tpu.memory_space<semaphore_mem>>)
    %dma_wait3A_504 = arith.constant 12 : i32
    %dma_wait3A_505 = arith.constant 0 : i32
    %dma_wait3A_506 = tpu.memref_slice %arg8[%dma_wait3A_504, %dma_wait3A_505] : memref<16x128xi32, #tpu.memory_space<vmem>> -> memref<1x128xi32, #tpu.memory_space<vmem>>
    %dma_wait3A_507 = tpu.memref_squeeze %dma_wait3A_506 : memref<1x128xi32, #tpu.memory_space<vmem>> -> memref<128xi32, #tpu.memory_space<vmem>>
    %dma_wait3A_508 = arith.constant 0 : i32
    %dma_wait3A_509 = arith.constant 0 : i32
    %dma_wait3A_510 = tpu.memref_slice %arg14[%dma_wait3A_508, %dma_wait3A_509] : memref<256x128xf32, #tpu.memory_space<vmem_shared>> -> memref<256x128xf32, #tpu.memory_space<vmem_shared>>
    tpu.wait_indirect_dma semaphore(%arg19 : memref<!tpu.dma_semaphore, #tpu.memory_space<semaphore_mem>>) src(%dma_wait3A_510 : memref<256x128xf32, #tpu.memory_space<vmem_shared>>) dst(%arg9 : memref<128x128xf32, #tpu.memory_space<vmem>>)
    %add3A_511 = arith.constant 1536 : i32
    %add3A_512 = arith.addi %mul3A_2, %add3A_511 : i32
    %dma_start3A_513 = arith.constant 0 : i32
    %dma_start3A_514 = tpu.memref_slice %arg6[%add3A_512, %dma_start3A_513] : memref<65536x128xf32, #tpu.memory_space<hbm>> -> memref<128x128xf32, #tpu.memory_space<hbm>>
    %dma_start3A_515 = arith.constant 0 : i32
    %dma_start3A_516 = tpu.memref_slice %arg6[%add3A_512, %dma_start3A_515] : memref<65536x128xf32, #tpu.memory_space<hbm>> -> memref<128x128xf32, #tpu.memory_space<hbm>>
    tpu.enqueue_dma source(%arg9 : memref<128x128xf32, #tpu.memory_space<vmem>>) target(%dma_start3A_516 : memref<128x128xf32, #tpu.memory_space<hbm>>) target_semaphore(%arg23 : memref<!tpu.dma_semaphore, #tpu.memory_space<semaphore_mem>>)
    %dma_wait3A_517 = arith.constant 14 : i32
    %dma_wait3A_518 = arith.constant 0 : i32
    %dma_wait3A_519 = tpu.memref_slice %arg7[%dma_wait3A_517, %dma_wait3A_518] : memref<16x128xi32, #tpu.memory_space<vmem>> -> memref<1x128xi32, #tpu.memory_space<vmem>>
    %dma_wait3A_520 = tpu.memref_squeeze %dma_wait3A_519 : memref<1x128xi32, #tpu.memory_space<vmem>> -> memref<128xi32, #tpu.memory_space<vmem>>
    %dma_wait3A_521 = arith.constant 0 : i32
    %dma_wait3A_522 = arith.constant 0 : i32
    %dma_wait3A_523 = tpu.memref_slice %arg13[%dma_wait3A_521, %dma_wait3A_522] : memref<256x128xf32, #tpu.memory_space<vmem_shared>> -> memref<256x128xf32, #tpu.memory_space<vmem_shared>>
    tpu.wait_indirect_dma semaphore(%arg17 : memref<!tpu.dma_semaphore, #tpu.memory_space<semaphore_mem>>) src(%dma_wait3A_523 : memref<256x128xf32, #tpu.memory_space<vmem_shared>>) dst(%arg11 : memref<128x128xf32, #tpu.memory_space<vmem>>)
    %dma_start3A_524 = arith.constant 14 : i32
    %dma_start3A_525 = arith.constant 0 : i32
    %dma_start3A_526 = tpu.memref_slice %arg8[%dma_start3A_524, %dma_start3A_525] : memref<16x128xi32, #tpu.memory_space<vmem>> -> memref<1x128xi32, #tpu.memory_space<vmem>>
    %dma_start3A_527 = tpu.memref_squeeze %dma_start3A_526 : memref<1x128xi32, #tpu.memory_space<vmem>> -> memref<128xi32, #tpu.memory_space<vmem>>
    %dma_start3A_528 = arith.constant 0 : i32
    %dma_start3A_529 = arith.constant 0 : i32
    %dma_start3A_530 = tpu.memref_slice %arg14[%dma_start3A_528, %dma_start3A_529] : memref<256x128xf32, #tpu.memory_space<vmem_shared>> -> memref<256x128xf32, #tpu.memory_space<vmem_shared>>
    tpu.enqueue_indirect_dma source(%dma_start3A_530 : memref<256x128xf32, #tpu.memory_space<vmem_shared>>) target(%arg11 : memref<128x128xf32, #tpu.memory_space<vmem>>) offsets(%dma_start3A_527 : memref<128xi32, #tpu.memory_space<vmem>>) semaphore(%arg21 : memref<!tpu.dma_semaphore, #tpu.memory_space<semaphore_mem>>) {add = true}
    %dma_wait3A_531 = arith.constant 0 : i32
    %dma_wait3A_532 = tpu.memref_slice %arg6[%add3A_474, %dma_wait3A_531] : memref<65536x128xf32, #tpu.memory_space<hbm>> -> memref<128x128xf32, #tpu.memory_space<hbm>>
    %dma_wait3A_533 = arith.constant 0 : i32
    %dma_wait3A_534 = tpu.memref_slice %arg6[%add3A_474, %dma_wait3A_533] : memref<65536x128xf32, #tpu.memory_space<hbm>> -> memref<128x128xf32, #tpu.memory_space<hbm>>
    tpu.wait_dma2 semaphore(%arg26 : memref<!tpu.dma_semaphore, #tpu.memory_space<semaphore_mem>>) src(%arg12 : memref<128x128xf32, #tpu.memory_space<vmem>>) dst(%dma_wait3A_534 : memref<128x128xf32, #tpu.memory_space<hbm>>)
    %dma_start3A_535 = arith.constant 15 : i32
    %dma_start3A_536 = arith.constant 0 : i32
    %dma_start3A_537 = tpu.memref_slice %arg7[%dma_start3A_535, %dma_start3A_536] : memref<16x128xi32, #tpu.memory_space<vmem>> -> memref<1x128xi32, #tpu.memory_space<vmem>>
    %dma_start3A_538 = tpu.memref_squeeze %dma_start3A_537 : memref<1x128xi32, #tpu.memory_space<vmem>> -> memref<128xi32, #tpu.memory_space<vmem>>
    %dma_start3A_539 = arith.constant 0 : i32
    %dma_start3A_540 = arith.constant 0 : i32
    %dma_start3A_541 = tpu.memref_slice %arg13[%dma_start3A_539, %dma_start3A_540] : memref<256x128xf32, #tpu.memory_space<vmem_shared>> -> memref<256x128xf32, #tpu.memory_space<vmem_shared>>
    tpu.enqueue_indirect_dma source(%dma_start3A_541 : memref<256x128xf32, #tpu.memory_space<vmem_shared>>) target(%arg12 : memref<128x128xf32, #tpu.memory_space<vmem>>) offsets(%dma_start3A_538 : memref<128xi32, #tpu.memory_space<vmem>>) semaphore(%arg18 : memref<!tpu.dma_semaphore, #tpu.memory_space<semaphore_mem>>)
    %dma_wait3A_542 = arith.constant 13 : i32
    %dma_wait3A_543 = arith.constant 0 : i32
    %dma_wait3A_544 = tpu.memref_slice %arg8[%dma_wait3A_542, %dma_wait3A_543] : memref<16x128xi32, #tpu.memory_space<vmem>> -> memref<1x128xi32, #tpu.memory_space<vmem>>
    %dma_wait3A_545 = tpu.memref_squeeze %dma_wait3A_544 : memref<1x128xi32, #tpu.memory_space<vmem>> -> memref<128xi32, #tpu.memory_space<vmem>>
    %dma_wait3A_546 = arith.constant 0 : i32
    %dma_wait3A_547 = arith.constant 0 : i32
    %dma_wait3A_548 = tpu.memref_slice %arg14[%dma_wait3A_546, %dma_wait3A_547] : memref<256x128xf32, #tpu.memory_space<vmem_shared>> -> memref<256x128xf32, #tpu.memory_space<vmem_shared>>
    tpu.wait_indirect_dma semaphore(%arg20 : memref<!tpu.dma_semaphore, #tpu.memory_space<semaphore_mem>>) src(%dma_wait3A_548 : memref<256x128xf32, #tpu.memory_space<vmem_shared>>) dst(%arg10 : memref<128x128xf32, #tpu.memory_space<vmem>>)
    %add3A_549 = arith.constant 1664 : i32
    %add3A_550 = arith.addi %mul3A_2, %add3A_549 : i32
    %dma_start3A_551 = arith.constant 0 : i32
    %dma_start3A_552 = tpu.memref_slice %arg6[%add3A_550, %dma_start3A_551] : memref<65536x128xf32, #tpu.memory_space<hbm>> -> memref<128x128xf32, #tpu.memory_space<hbm>>
    %dma_start3A_553 = arith.constant 0 : i32
    %dma_start3A_554 = tpu.memref_slice %arg6[%add3A_550, %dma_start3A_553] : memref<65536x128xf32, #tpu.memory_space<hbm>> -> memref<128x128xf32, #tpu.memory_space<hbm>>
    tpu.enqueue_dma source(%arg10 : memref<128x128xf32, #tpu.memory_space<vmem>>) target(%dma_start3A_554 : memref<128x128xf32, #tpu.memory_space<hbm>>) target_semaphore(%arg24 : memref<!tpu.dma_semaphore, #tpu.memory_space<semaphore_mem>>)
    %dma_wait3A_555 = arith.constant 15 : i32
    %dma_wait3A_556 = arith.constant 0 : i32
    %dma_wait3A_557 = tpu.memref_slice %arg7[%dma_wait3A_555, %dma_wait3A_556] : memref<16x128xi32, #tpu.memory_space<vmem>> -> memref<1x128xi32, #tpu.memory_space<vmem>>
    %dma_wait3A_558 = tpu.memref_squeeze %dma_wait3A_557 : memref<1x128xi32, #tpu.memory_space<vmem>> -> memref<128xi32, #tpu.memory_space<vmem>>
    %dma_wait3A_559 = arith.constant 0 : i32
    %dma_wait3A_560 = arith.constant 0 : i32
    %dma_wait3A_561 = tpu.memref_slice %arg13[%dma_wait3A_559, %dma_wait3A_560] : memref<256x128xf32, #tpu.memory_space<vmem_shared>> -> memref<256x128xf32, #tpu.memory_space<vmem_shared>>
    tpu.wait_indirect_dma semaphore(%arg18 : memref<!tpu.dma_semaphore, #tpu.memory_space<semaphore_mem>>) src(%dma_wait3A_561 : memref<256x128xf32, #tpu.memory_space<vmem_shared>>) dst(%arg12 : memref<128x128xf32, #tpu.memory_space<vmem>>)
    %dma_start3A_562 = arith.constant 15 : i32
    %dma_start3A_563 = arith.constant 0 : i32
    %dma_start3A_564 = tpu.memref_slice %arg8[%dma_start3A_562, %dma_start3A_563] : memref<16x128xi32, #tpu.memory_space<vmem>> -> memref<1x128xi32, #tpu.memory_space<vmem>>
    %dma_start3A_565 = tpu.memref_squeeze %dma_start3A_564 : memref<1x128xi32, #tpu.memory_space<vmem>> -> memref<128xi32, #tpu.memory_space<vmem>>
    %dma_start3A_566 = arith.constant 0 : i32
    %dma_start3A_567 = arith.constant 0 : i32
    %dma_start3A_568 = tpu.memref_slice %arg14[%dma_start3A_566, %dma_start3A_567] : memref<256x128xf32, #tpu.memory_space<vmem_shared>> -> memref<256x128xf32, #tpu.memory_space<vmem_shared>>
    tpu.enqueue_indirect_dma source(%dma_start3A_568 : memref<256x128xf32, #tpu.memory_space<vmem_shared>>) target(%arg12 : memref<128x128xf32, #tpu.memory_space<vmem>>) offsets(%dma_start3A_565 : memref<128xi32, #tpu.memory_space<vmem>>) semaphore(%arg22 : memref<!tpu.dma_semaphore, #tpu.memory_space<semaphore_mem>>) {add = true}
    %dma_wait3A_569 = arith.constant 14 : i32
    %dma_wait3A_570 = arith.constant 0 : i32
    %dma_wait3A_571 = tpu.memref_slice %arg8[%dma_wait3A_569, %dma_wait3A_570] : memref<16x128xi32, #tpu.memory_space<vmem>> -> memref<1x128xi32, #tpu.memory_space<vmem>>
    %dma_wait3A_572 = tpu.memref_squeeze %dma_wait3A_571 : memref<1x128xi32, #tpu.memory_space<vmem>> -> memref<128xi32, #tpu.memory_space<vmem>>
    %dma_wait3A_573 = arith.constant 0 : i32
    %dma_wait3A_574 = arith.constant 0 : i32
    %dma_wait3A_575 = tpu.memref_slice %arg14[%dma_wait3A_573, %dma_wait3A_574] : memref<256x128xf32, #tpu.memory_space<vmem_shared>> -> memref<256x128xf32, #tpu.memory_space<vmem_shared>>
    tpu.wait_indirect_dma semaphore(%arg21 : memref<!tpu.dma_semaphore, #tpu.memory_space<semaphore_mem>>) src(%dma_wait3A_575 : memref<256x128xf32, #tpu.memory_space<vmem_shared>>) dst(%arg11 : memref<128x128xf32, #tpu.memory_space<vmem>>)
    %add3A_576 = arith.constant 1792 : i32
    %add3A_577 = arith.addi %mul3A_2, %add3A_576 : i32
    %dma_start3A_578 = arith.constant 0 : i32
    %dma_start3A_579 = tpu.memref_slice %arg6[%add3A_577, %dma_start3A_578] : memref<65536x128xf32, #tpu.memory_space<hbm>> -> memref<128x128xf32, #tpu.memory_space<hbm>>
    %dma_start3A_580 = arith.constant 0 : i32
    %dma_start3A_581 = tpu.memref_slice %arg6[%add3A_577, %dma_start3A_580] : memref<65536x128xf32, #tpu.memory_space<hbm>> -> memref<128x128xf32, #tpu.memory_space<hbm>>
    tpu.enqueue_dma source(%arg11 : memref<128x128xf32, #tpu.memory_space<vmem>>) target(%dma_start3A_581 : memref<128x128xf32, #tpu.memory_space<hbm>>) target_semaphore(%arg25 : memref<!tpu.dma_semaphore, #tpu.memory_space<semaphore_mem>>)
    %dma_wait3A_582 = arith.constant 15 : i32
    %dma_wait3A_583 = arith.constant 0 : i32
    %dma_wait3A_584 = tpu.memref_slice %arg8[%dma_wait3A_582, %dma_wait3A_583] : memref<16x128xi32, #tpu.memory_space<vmem>> -> memref<1x128xi32, #tpu.memory_space<vmem>>
    %dma_wait3A_585 = tpu.memref_squeeze %dma_wait3A_584 : memref<1x128xi32, #tpu.memory_space<vmem>> -> memref<128xi32, #tpu.memory_space<vmem>>
    %dma_wait3A_586 = arith.constant 0 : i32
    %dma_wait3A_587 = arith.constant 0 : i32
    %dma_wait3A_588 = tpu.memref_slice %arg14[%dma_wait3A_586, %dma_wait3A_587] : memref<256x128xf32, #tpu.memory_space<vmem_shared>> -> memref<256x128xf32, #tpu.memory_space<vmem_shared>>
    tpu.wait_indirect_dma semaphore(%arg22 : memref<!tpu.dma_semaphore, #tpu.memory_space<semaphore_mem>>) src(%dma_wait3A_588 : memref<256x128xf32, #tpu.memory_space<vmem_shared>>) dst(%arg12 : memref<128x128xf32, #tpu.memory_space<vmem>>)
    %add3A_589 = arith.constant 1920 : i32
    %add3A_590 = arith.addi %mul3A_2, %add3A_589 : i32
    %dma_start3A_591 = arith.constant 0 : i32
    %dma_start3A_592 = tpu.memref_slice %arg6[%add3A_590, %dma_start3A_591] : memref<65536x128xf32, #tpu.memory_space<hbm>> -> memref<128x128xf32, #tpu.memory_space<hbm>>
    %dma_start3A_593 = arith.constant 0 : i32
    %dma_start3A_594 = tpu.memref_slice %arg6[%add3A_590, %dma_start3A_593] : memref<65536x128xf32, #tpu.memory_space<hbm>> -> memref<128x128xf32, #tpu.memory_space<hbm>>
    tpu.enqueue_dma source(%arg12 : memref<128x128xf32, #tpu.memory_space<vmem>>) target(%dma_start3A_594 : memref<128x128xf32, #tpu.memory_space<hbm>>) target_semaphore(%arg26 : memref<!tpu.dma_semaphore, #tpu.memory_space<semaphore_mem>>)
    %dma_wait3A_595 = arith.constant 0 : i32
    %dma_wait3A_596 = tpu.memref_slice %arg6[%add3A_512, %dma_wait3A_595] : memref<65536x128xf32, #tpu.memory_space<hbm>> -> memref<128x128xf32, #tpu.memory_space<hbm>>
    %dma_wait3A_597 = arith.constant 0 : i32
    %dma_wait3A_598 = tpu.memref_slice %arg6[%add3A_512, %dma_wait3A_597] : memref<65536x128xf32, #tpu.memory_space<hbm>> -> memref<128x128xf32, #tpu.memory_space<hbm>>
    tpu.wait_dma2 semaphore(%arg23 : memref<!tpu.dma_semaphore, #tpu.memory_space<semaphore_mem>>) src(%arg9 : memref<128x128xf32, #tpu.memory_space<vmem>>) dst(%dma_wait3A_598 : memref<128x128xf32, #tpu.memory_space<hbm>>)
    %dma_wait3A_599 = arith.constant 0 : i32
    %dma_wait3A_600 = tpu.memref_slice %arg6[%add3A_550, %dma_wait3A_599] : memref<65536x128xf32, #tpu.memory_space<hbm>> -> memref<128x128xf32, #tpu.memory_space<hbm>>
    %dma_wait3A_601 = arith.constant 0 : i32
    %dma_wait3A_602 = tpu.memref_slice %arg6[%add3A_550, %dma_wait3A_601] : memref<65536x128xf32, #tpu.memory_space<hbm>> -> memref<128x128xf32, #tpu.memory_space<hbm>>
    tpu.wait_dma2 semaphore(%arg24 : memref<!tpu.dma_semaphore, #tpu.memory_space<semaphore_mem>>) src(%arg10 : memref<128x128xf32, #tpu.memory_space<vmem>>) dst(%dma_wait3A_602 : memref<128x128xf32, #tpu.memory_space<hbm>>)
    %dma_wait3A_603 = arith.constant 0 : i32
    %dma_wait3A_604 = tpu.memref_slice %arg6[%add3A_577, %dma_wait3A_603] : memref<65536x128xf32, #tpu.memory_space<hbm>> -> memref<128x128xf32, #tpu.memory_space<hbm>>
    %dma_wait3A_605 = arith.constant 0 : i32
    %dma_wait3A_606 = tpu.memref_slice %arg6[%add3A_577, %dma_wait3A_605] : memref<65536x128xf32, #tpu.memory_space<hbm>> -> memref<128x128xf32, #tpu.memory_space<hbm>>
    tpu.wait_dma2 semaphore(%arg25 : memref<!tpu.dma_semaphore, #tpu.memory_space<semaphore_mem>>) src(%arg11 : memref<128x128xf32, #tpu.memory_space<vmem>>) dst(%dma_wait3A_606 : memref<128x128xf32, #tpu.memory_space<hbm>>)
    %dma_wait3A_607 = arith.constant 0 : i32
    %dma_wait3A_608 = tpu.memref_slice %arg6[%add3A_590, %dma_wait3A_607] : memref<65536x128xf32, #tpu.memory_space<hbm>> -> memref<128x128xf32, #tpu.memory_space<hbm>>
    %dma_wait3A_609 = arith.constant 0 : i32
    %dma_wait3A_610 = tpu.memref_slice %arg6[%add3A_590, %dma_wait3A_609] : memref<65536x128xf32, #tpu.memory_space<hbm>> -> memref<128x128xf32, #tpu.memory_space<hbm>>
    tpu.wait_dma2 semaphore(%arg26 : memref<!tpu.dma_semaphore, #tpu.memory_space<semaphore_mem>>) src(%arg12 : memref<128x128xf32, #tpu.memory_space<vmem>>) dst(%dma_wait3A_610 : memref<128x128xf32, #tpu.memory_space<hbm>>)
    return
  }
}

module attributes {stable_mosaic.version = 14 : i64} {
  func.func @_tables_body(%arg0: memref<256x64xf32, #tpu.memory_space<vmem>>, %arg1: memref<256x64xf32, #tpu.memory_space<vmem>>, %arg2: memref<128x128xf32, #tpu.memory_space<vmem>>, %arg3: memref<1x128xf32, #tpu.memory_space<vmem>>, %arg4: memref<256x128xf32, #tpu.memory_space<vmem>>, %arg5: memref<256x128xf32, #tpu.memory_space<vmem>>) attributes {dimension_semantics = [], scalar_prefetch = 0 : i64, scratch_operands = 0 : i64, tpu.core_type = #tpu.core_type<tc>} {
    %get3A = arith.constant 0 : index
    %get3A_0 = arith.constant 0 : index
    %get3A_1 = vector.load %arg2[%get3A, %get3A_0] : memref<128x128xf32, #tpu.memory_space<vmem>>, vector<128x128xf32>
    %get3A_2 = arith.constant 0 : index
    %get3A_3 = arith.constant 0 : index
    %get3A_4 = vector.load %arg0[%get3A_2, %get3A_3] : memref<256x64xf32, #tpu.memory_space<vmem>>, vector<256x64xf32>
    %slice3A = vector.extract_strided_slice %get3A_1 {offsets = [0, 0], sizes = [128, 64], strides = [1, 1]} : vector<128x128xf32> to vector<128x64xf32>
    %dot_general3A = arith.constant dense<0.000000e+00> : vector<256x128xf32>
    %dot_general3A_5 = tpu.matmul %get3A_4, %slice3A, %dot_general3A {dimension_numbers = #tpu.dot_dimension_numbers<[1], [1], [0], [0], [0, 0, 1, 0], [], []>, transpose_lhs_hint = false} : vector<256x64xf32>, vector<128x64xf32>, vector<256x128xf32> -> vector<256x128xf32>
    %get3A_6 = arith.constant 0 : index
    %get3A_7 = arith.constant 0 : index
    %get3A_8 = vector.load %arg3[%get3A_6, %get3A_7] : memref<1x128xf32, #tpu.memory_space<vmem>>, vector<1x128xf32>
    %add3A = vector.broadcast %get3A_8 : vector<1x128xf32> to vector<256x128xf32>
    %add3A_9 = arith.addf %dot_general3A_5, %add3A : vector<256x128xf32>
    %swap3A = arith.constant 0 : index
    %swap3A_10 = arith.constant 0 : index
    %swap3A_11 = vector.load %arg4[%swap3A, %swap3A_10] : memref<256x128xf32, #tpu.memory_space<vmem>>, vector<256x128xf32>
    tpu.vector_store %arg4[%swap3A, %swap3A_10], %add3A_9 {strides = array<i32>} : memref<256x128xf32, #tpu.memory_space<vmem>>, vector<256x128xf32>,
    %get3A_12 = arith.constant 0 : index
    %get3A_13 = arith.constant 0 : index
    %get3A_14 = vector.load %arg1[%get3A_12, %get3A_13] : memref<256x64xf32, #tpu.memory_space<vmem>>, vector<256x64xf32>
    %slice3A_15 = vector.extract_strided_slice %get3A_1 {offsets = [0, 64], sizes = [128, 64], strides = [1, 1]} : vector<128x128xf32> to vector<128x64xf32>
    %dot_general3A_16 = arith.constant dense<0.000000e+00> : vector<256x128xf32>
    %dot_general3A_17 = tpu.matmul %get3A_14, %slice3A_15, %dot_general3A_16 {dimension_numbers = #tpu.dot_dimension_numbers<[1], [1], [0], [0], [0, 0, 1, 0], [], []>, transpose_lhs_hint = false} : vector<256x64xf32>, vector<128x64xf32>, vector<256x128xf32> -> vector<256x128xf32>
    %swap3A_18 = arith.constant 0 : index
    %swap3A_19 = arith.constant 0 : index
    %swap3A_20 = vector.load %arg5[%swap3A_18, %swap3A_19] : memref<256x128xf32, #tpu.memory_space<vmem>>, vector<256x128xf32>
    tpu.vector_store %arg5[%swap3A_18, %swap3A_19], %dot_general3A_17 {strides = array<i32>} : memref<256x128xf32, #tpu.memory_space<vmem>>, vector<256x128xf32>,
    return
  }
}

</mosaic_0001>

<sc_bundles>
// kernel: kernel.4.cloned.1.call-start
scs
__scs_entry_jumppad:
0x0: {  	(pc) =	sbr.rel $0x88, $3  }
0x1: {  	(tag) =	ssettag $0x0;
	lr =	simm.s32 $0x1  }
0x2: {  	[smem:$0x3F9C] =	sst lr;
	_ =	strace $0xD0000000  }
0x3: {  	_ = 	snop  }
0x4: {  	_ = 	snop  }
0x5: {  	_ = 	snop  }
0x6: {  	_ = 	snop  }
0x7: {  	_ = 	snop  }
__scs_overlays_trampoline_lowered:
0x8: {  	[smem:$0x3FAB] =	sst s0  }
0x9: {  	[smem:$0x3FAC] =	sst s1  }
0xa: {  	[smem:$0x3FAD] =	sst s2  }
0xb: {  	[smem:$0x3FAE] =	sst s3  }
0xc: {  	[smem:$0x3FAF] =	sst s4  }
0xd: {  	[smem:$0x3FB0] =	sst s5  }
0xe: {  	[smem:$0x3FB1] =	sst s6  }
0xf: {  	[smem:$0x3FB2] =	sst s7  }
0x10: {  	[smem:$0x3FB3] =	sst s8  }
0x11: {  	[smem:$0x3FB4] =	sst s9;
	s0 =	simm.s32 @!p0 $0x0  }
0x12: {  	s1 =	sld [smem:$0x3F9A];
	s0 =	simm.s32 @p0 $0x1  }
0x13: {  	[smem:$0x3FB5] =	sst s0;
	s0 =	simm.s32 @!p1 $0x0  }
0x14: {  	s2 =	sld [smem:$0x3F99];
	s0 =	simm.s32 @p1 $0x1  }
0x15: {  	[smem:$0x3FB6] =	sst s0;
	s0 =	simm.s32 @!p2 $0x0  }
0x16: {  	s3 =	sld [smem:$0x3FDB];
	s0 =	simm.s32 @p2 $0x1  }
0x17: {  	s4 =	simm.s32 $0x1BF5;
	[smem:$0x3FB8] =	sst s0  }
0x18: {  	s0 =	sld [smem:$0x3F9B];
	_ =	swait.ge [sflag:s4], $0x0  }
0x19: {  	s7 =	sld [smem:$0x3F9C]  }
0x1a: {  	s8 =	sadd.s32 $0xFFFFE003, lr  }
0x1b: {  	s9 =	sadd.s32 $0xFFFFFEF7, lr;
	s5 =	simm.s32 $0xFFFFFFFF;
	p2 =	slt.u32 s8, $0xFFFFF086  }
0x1c: {  	p1 =	slt.u32 s9, $0xF7A;
	s5 =	simm.s32 @!p2 $0x0  }
0x1d: {  	s5 =	simm.s32 @p1 $0x1;
	p0 =	seq.s32 s7, s2  }
0x1e: {  	s7 =	smul.u32 @!p0 $0xF7A, s2;
	p2 =	seq.s32 @!p0 s5, $0x0  }
0x1f: {  	s9 =	smul.u32 $0xF7A, s1;
	s8 =	simm.s32 @!p0 $0x1BF5;
	p2 =	por !p2, p0  }
0x20: {  	[sflag:s8] =	ssyncset.s32 @!p0 $0xFFFFF086;
	s6 =	sadd.s32 @!p0 s3, s7;
	s7 =	simm.s32 @!p0 $0x108  }
0x21: {  	s3 =	sadd.s32 s3, s9;
	s6 =	sadd.s32 @!p0 $0x88, s6;
	s7 =	simm.s32 @p2 $0x1082  }
0x22: {  	[simem:s7], [sflag:s8] =	dma.local @!p0 [hbm:s6], $0xF7A  }
0x23: {  	s9 =	sor.u32 $0xD0000000, s2;
	s6 =	simm.s32 $0x108;
	_ =	swait.ge @!p0 [sflag:s8], $0x0  }
0x24: {  	s3 =	sadd.s32 $0x88, s3;
	s6 =	simm.s32 @!p1 $0x1082;
	[sflag:s4] =	ssyncset.s32 $0xFFFFF086  }
0x25: {  	[simem:s6], [sflag:s4] =	dma.local [hbm:s3], $0xF7A  }
0x26: {  	[smem:$0x3F9C] =	sst s1;
	(tag) =	ssettag s2;
	_ =	strace s9  }
0x27: {  	s1 =	sld [smem:$0x3FAC]  }
0x28: {  	s2 =	sld [smem:$0x3FAD]  }
0x29: {  	s4 =	sld [smem:$0x3FAF]  }
0x2a: {  	p0 =	seq.s32 s5, $0x0;
	s5 =	sld [smem:$0x3FB0]  }
0x2b: {  	s6 =	sld [smem:$0x3FB1]  }
0x2c: {  	s7 =	sld [smem:$0x3FB2]  }
0x2d: {  	s3 =	simm.s32 $0x108;
	s8 =	sld [smem:$0x3FB3]  }
0x2e: {  	s3 =	simm.s32 @!p0 $0x1082;
	s9 =	sld [smem:$0x3FB4]  }
0x2f: {  	lr =	sadd.s32 s0, s3;
	s0 =	sld [smem:$0x3FAB]  }
0x30: {  	s3 =	sld [smem:$0x3FAE]  }
0x31: {  	[smem:$0x3FB7] =	sst s10  }
0x32: {  	s10 =	sld [smem:$0x3FB5];
	_ =	sdelay $0x3  }
0x33: {  	p0 =	seq.s32 s10, $0x1;
	s10 =	sld [smem:$0x3FB7];
	_ =	sdelay $0x3  }
0x34: {  	[smem:$0x3FB7] =	sst s10  }
0x35: {  	s10 =	sld [smem:$0x3FB6];
	_ =	sdelay $0x3  }
0x36: {  	p1 =	seq.s32 s10, $0x1;
	s10 =	sld [smem:$0x3FB7];
	_ =	sdelay $0x3  }
0x37: {  	[smem:$0x3FB7] =	sst s10  }
0x38: {  	s10 =	sld [smem:$0x3FB8]  }
0x39: {  	_ = 	snop;
	(pc) =	sbr.ind lr, $3  }
0x3a: {  	_ = 	snop  }
0x3b: {  	_ = 	snop  }
0x3c: {  	p2 =	seq.s32 s10, $0x1;
	s10 =	sld [smem:$0x3FB7]  }
0x3d: {  	_ =	shalt  }
0x3e: {  	_ =	shalt  }
0x3f: {  	_ =	shalt  }
0x40: {  	_ =	shalt  }
0x41: {  	_ =	shalt  }
0x42: {  	_ =	shalt  }
0x43: {  	_ =	shalt  }
0x44: {  	_ =	shalt  }
0x45: {  	_ =	shalt  }
0x46: {  	_ =	shalt  }
0x47: {  	_ =	shalt  }
0x48: {  	_ =	shalt  }
0x49: {  	_ =	shalt  }
0x4a: {  	_ =	shalt  }
0x4b: {  	_ =	shalt  }
0x4c: {  	_ =	shalt  }
0x4d: {  	_ =	shalt  }
0x4e: {  	_ =	shalt  }
0x4f: {  	_ =	shalt  }
0x50: {  	_ =	shalt  }
0x51: {  	_ =	shalt  }
0x52: {  	_ =	shalt  }
0x53: {  	_ =	shalt  }
0x54: {  	_ =	shalt  }
0x55: {  	_ =	shalt  }
0x56: {  	_ =	shalt  }
0x57: {  	_ =	shalt  }
0x58: {  	_ =	shalt  }
0x59: {  	_ =	shalt  }
0x5a: {  	_ =	shalt  }
0x5b: {  	_ =	shalt  }
0x5c: {  	_ =	shalt  }
0x5d: {  	_ =	shalt  }
0x5e: {  	_ =	shalt  }
0x5f: {  	_ =	shalt  }
0x60: {  	_ =	shalt  }
0x61: {  	_ =	shalt  }
0x62: {  	_ =	shalt  }
0x63: {  	_ =	shalt  }
0x64: {  	_ =	shalt  }
0x65: {  	_ =	shalt  }
0x66: {  	_ =	shalt  }
0x67: {  	_ =	shalt  }
0x68: {  	_ =	shalt  }
0x69: {  	_ =	shalt  }
0x6a: {  	_ =	shalt  }
0x6b: {  	_ =	shalt  }
0x6c: {  	_ =	shalt  }
0x6d: {  	_ =	shalt  }
0x6e: {  	_ =	shalt  }
0x6f: {  	_ =	shalt  }
0x70: {  	_ =	shalt  }
0x71: {  	_ =	shalt  }
0x72: {  	_ =	shalt  }
0x73: {  	_ =	shalt  }
0x74: {  	_ =	shalt  }
0x75: {  	_ =	shalt  }
0x76: {  	_ =	shalt  }
0x77: {  	_ =	shalt  }
0x78: {  	_ =	shalt  }
0x79: {  	_ =	shalt  }
0x7a: {  	_ =	shalt  }
0x7b: {  	_ =	shalt  }
0x7c: {  	_ =	shalt  }
0x7d: {  	_ =	shalt  }
0x7e: {  	_ =	shalt  }
0x7f: {  	_ =	shalt  }
0x80: {  	_ =	shalt  }
0x81: {  	_ =	shalt  }
0x82: {  	_ =	shalt  }
0x83: {  	_ =	shalt  }
0x84: {  	_ =	shalt  }
0x85: {  	_ =	shalt  }
0x86: {  	_ =	shalt  }
0x87: {  	_ =	shalt  }
.Lfunc_end0:
.L_simem_size_0:
called_computation_lowered:
.L_overlay_start_0:
0x88: {  	s2 =	sld [smem:$0x3FD9]  }
0x89: {  	s3 =	sld [smem:$0x3FFE];
	_ =	sdelay $0x1  }
0x8a: {  	s1 =	srdreg.scid  }
0x8b: {  	s0 =	sand.u32 $0x1, s1  }
0x8c: {  	s17 =	sshll.u32 s0, $0xA;
	s2 =	sadd.s32 s3, s2  }
0x8d: {  	s2 =	sadd.s32 s2, s17  }
0x8e: {  	[smem:$0x3FC3] =	sst s2  }
0x8f: {  	_ = 	snop  }
0x90: {  	s2 =	sld [smem:$0x3FD0];
	(tm) =	ssettm $0x1  }
0x91: {  	s18 =	sld [smem:$0x3FFB];
	_ =	sdelay $0x3  }
0x92: {  	_ =	strace s18  }
0x93: {  	s3 =	sld [smem:$0x3FFC];
	_ =	sdelay $0x3  }
0x94: {  	_ =	strace s3  }
0x95: {  	s3 =	sld [smem:$0x3FFD];
	_ =	sdelay $0x3  }
0x96: {  	_ =	strace s3  }
0x97: {  	_ =	strace $0x8FFFFFFF  }
0x98: {  	s19 =	sld [smem:$0x3FDB];
	_ =	sdelay $0x1  }
0x99: {  	s4 =	simm.s32 $_scs_section_size  }
0x9a: {  	s5 =	simm.s32 $_size__tile_overlayer_lowered;
	s6 =	simm.s32 $_tile_overlayer_lowered  }
0x9b: {  	s22 =	simm.s32 $0x1BFF;
	s21 =	sshll.u32 s6, $0x1;
	s3 =	sadd.s32 s4, s19  }
0x9c: {  	s7 =	simm.s32 $0x0;
	s20 =	sshll.u32 s5, $0x1;
	s5 =	sadd.s32 s21, s3  }
0x9d: {  	[timem:s7], [sflag:s22] =	dma.local [hbm:s5], s20  }
0x9e: {  	_ =	swait.ge [sflag:s22], s20  }
0x9f: {  	s4 =	ssub.s32 $0x0, s20;
	[sflag:s22] =	ssyncset.done $0x0  }
0xa0: {  	[sflag:s22] =	ssyncadd.s32 s4;
	_ =	sdelay $0x1  }
0xa1: {  	s23 =	simm.s32 $0x1B8B  }
0xa2: {  	_ =	swait.ge [sflag:s23], $0x1  }
0xa3: {  	[sflag:s23] =	ssyncset.done $0x0  }
0xa4: {  	s25 =	simm.s32 $0x1B8E;
	s24 =	sld [smem:$0x3FFE];
	[sflag:s23] =	ssyncadd.s32 $0xFFFFFFFF  }
0xa5: {  	s26 =	simm.s32 $execute0_lowered;
	[smem:$0x3FD2] =	sst s25  }
0xa6: {  	s5 =	sshll.u32 s26, $0x1;
	_ =	strace $0x80000046;
	[dreg:$0x1] =	wrdreg $0xFFFFFFFF  }
0xa7: {  	s28 =	simm.s32 $_size_execute0_lowered;
	s3 =	sadd.s32 s3, s5;
	[dreg:$0x0] =	wrdreg $0x0  }
0xa8: {  	s5 =	sshll.u32 s28, $0x1;
	[dreg:$0x2] =	wrdreg s3  }
0xa9: {  	[dreg:$0x3] =	wrdreg s5  }
0xaa: {  	[dreg:$0x4] =	wrdreg $0xC0  }
0xab: {  	_ =	task [dreg:s7], $0x5FFFF  }
0xac: {  	[dreg:$0x1] =	wrdreg $0xFFFFFFFF  }
0xad: {  	[dreg:$0x0] =	wrdreg $0x60  }
0xae: {  	[dreg:$0x2] =	wrdreg s24  }
0xaf: {  	[dreg:$0x3] =	wrdreg s2  }
0xb0: {  	[dreg:$0x4] =	wrdreg $0x110000  }
0xb1: {  	[dreg:$0x5] =	wrdreg $0x118000  }
0xb2: {  	[dreg:$0x6] =	wrdreg $0x9  }
0xb3: {  	_ =	task.clear_ibuf [dreg:s7], $0x7FFFF;
	_ =	strace $0x90000046  }
0xb4: {  	s29 =	simm.s32 $0x9;
	_ =	strace $0x80000048  }
0xb5: {  	_ =	swait.ge [sflag:s29], $0x1  }
0xb6: {  	[sflag:s29] =	ssyncadd.s32 $0xFFFFFFFF  }
0xb7: {  	_ =	strace $0x90000048  }
0xb8: {  	_ =	sfence  }
0xb9: {  	s30 =	sld [smem:$0x0];
	_ =	sdelay $0x2  }
0xba: {  	s31 =	sshll.u32 s1, $0xD;
	s1 =	sshrl.u32 s1, $0x2  }
0xbb: {  	s3 =	sand.u32 $0x4000, s31;
	s1 =	sadd.s32 s1, s30  }
0xbc: {  	s0 =	sor.u32 s3, s0;
	s1 =	sshll.u32 s1, $0x11  }
0xbd: {  	s0 =	sor.u32 s1, s0  }
0xbe: {  	s0 =	sadd.s32 $0x8F2B, s0  }
0xbf: {  	[sflag:s0] =	ssyncadd.remote.s32 $0x1  }
0xc0: {  	_ =	sfence.sel $0xFFFF  }
0xc1: {  	[dreg:$0x0] =	wrdreg $0xFFFFFFFF;
	(pc) =	sbr.abs _section_cstart, $3  }
0xc2: {  	[dreg:$0x1] =	wrdreg $0xFFFFFFFF  }
0xc3: {  	_ =	task.clear_ibuf [dreg:s7], $0x2FFFF;
	_ =	strace $0x9FFFFFFF  }
0xc4: {  	(tm) =	ssettm $0x7FFFFFFF  }
0xc5: {  	_ =	shalt  }
tec
execute0_lowered:
.L_overlay_start_1:
0x0: {  	(tag) =	ssettag $0x1  }
0x1: {  	s0 =	rddreg [dreg:$0x0]  }
0x2: {  	s4 =	rddreg [dreg:$0x1]  }
0x3: {  	s3 =	rddreg [dreg:$0x2]  }
0x4: {  	s2 =	rddreg [dreg:$0x3];
	s1 =	srdreg.scid  }
0x5: {  	s30 =	rddreg [dreg:$0x4];
	s5 =	stileid.u32;
	s6 =	sand.u32 $0x1, s1  }
0x6: {  	s1 =	simm.s32 $0x0;
	s7 =	sshll.u32 s5, $0xC;
	s10 =	sadd.s32 $0x5000, s0  }
0x7: {  	s11 =	sadd.s32 $0x6000, s0;
	p0 =	sne.s32 s5, $0x0;
	[smem:$0x7FF] =	sst s1  }
0x8: {  	s8 =	sshll.u32 s6, $0xB;
	_ =	strace $0x80000047;
	[dreg:$0x5] =	wrdreg s10  }
0x9: {  	s5 =	simm.s32 $0x880;
	s7 =	sor.u32 s8, s7;
	[dreg:$0x6] =	wrdreg s11  }
0xa: {  	[dreg:$0x1a] =	wrdreg s5;
	s11 =	simm.s32 $0x980;
	s9 =	sshrl.u32 s7, $0x3  }
0xb: {  	s7 =	sshll.u32 s7, $0x4;
	[dreg:$0x1d] =	wrdreg s11;
	s11 =	simm.s32 $0x580  }
0xc: {  	s24 =	sadd.s32 s4, s7;
	s4 =	simm.s32 $0x100;
	[smem:$0x7F7] =	sst s11  }
0xd: {  	s7 =	simm.s32 $0x900;
	[dreg:$0x19] =	wrdreg s4  }
0xe: {  	s0 =	sadd.s32 s9, s0;
	s9 =	simm.s32 $0x180;
	[dreg:$0x1b] =	wrdreg s7  }
0xf: {  	s12 =	sadd.s32 $0x3000, s0;
	[dreg:$0x1c] =	wrdreg s9  }
0x10: {  	s0 =	sadd.s32 $0x1000, s0;
	[dreg:$0x7] =	wrdreg s12  }
0x11: {  	s13 =	sadd.s32 $0x800, s24;
	[dreg:$0x8] =	wrdreg s0  }
0x12: {  	s14 =	sadd.s32 $0x1000, s24;
	[dreg:$0x9] =	wrdreg s13  }
0x13: {  	s15 =	sadd.s32 $0x1800, s24;
	[dreg:$0xa] =	wrdreg s14  }
0x14: {  	s16 =	sadd.s32 $0x2000, s24;
	[dreg:$0xb] =	wrdreg s15  }
0x15: {  	s17 =	sadd.s32 $0x2800, s24;
	[dreg:$0xc] =	wrdreg s16  }
0x16: {  	s18 =	sadd.s32 $0x3000, s24;
	[dreg:$0xd] =	wrdreg s17  }
0x17: {  	s19 =	sadd.s32 $0x3800, s24;
	[dreg:$0xe] =	wrdreg s18  }
0x18: {  	s20 =	sadd.s32 $0x4000, s24;
	[dreg:$0xf] =	wrdreg s19  }
0x19: {  	s21 =	sadd.s32 $0x4800, s24;
	[dreg:$0x10] =	wrdreg s20  }
0x1a: {  	s22 =	sadd.s32 $0x5000, s24;
	[dreg:$0x11] =	wrdreg s21  }
0x1b: {  	p1 =	por $0x0, $0x0;
	s23 =	sadd.s32 $0x5800, s24;
	[dreg:$0x12] =	wrdreg s22  }
0x1c: {  	s28 =	sshrl.u32 @!p0 s2, $0x3;
	s25 =	sadd.s32 $0x6000, s24;
	[dreg:$0x13] =	wrdreg s23  }
0x1d: {  	s8 =	ssub.s32 $0x2, s6;
	s26 =	sadd.s32 $0x6800, s24;
	[dreg:$0x14] =	wrdreg s25  }
0x1e: {  	s6 =	simm.s32 $0x5000;
	s29 =	sadd.s32 $0x7000, s24;
	[dreg:$0x15] =	wrdreg s26  }
0x1f: {  	s5 =	simm.s32 $0x9000;
	s31 =	sadd.s32 $0x7800, s24;
	[dreg:$0x16] =	wrdreg s29  }
0x20: {  	s10 =	sshrl.u32 s8, $0x1;
	s9 =	simm.s32 $0x500;
	[dreg:$0x17] =	wrdreg s31  }
0x21: {  	s4 =	ssub.s32 s8, s10;
	s10 =	simm.s32 $0xD00;
	[smem:$0x7F5] =	sst s9  }
0x22: {  	s11 =	simm.s32 $0xB;
	s0 =	sshrl.u32 @!p0 s3, $0x3;
	[smem:$0x7F6] =	sst s10  }
0x23: {  	s8 =	simm.s32 $0x1000;
	s12 =	simm.s32 $0x200;
	[dreg:$0x18] =	wrdreg s0  }
0x24: {  	s7 =	simm.s32 $0xD000;
	s13 =	simm.s32 $0xA00;
	[dreg:$0x1e] =	wrdreg s12  }
0x25: {  	s21 =	smax.u32 s4, $0x1;
	s14 =	simm.s32 $0x280;
	[dreg:$0x1f] =	wrdreg s13  }
0x26: {  	s26 =	simm.s32 $0xD;
	s15 =	simm.s32 $0xA80;
	[smem:$0x7EB] =	sst s14  }
0x27: {  	s25 =	simm.s32 $0x800;
	s16 =	simm.s32 $0x300;
	[smem:$0x7EC] =	sst s15  }
0x28: {  	s4 =	simm.s32 $0x80;
	s17 =	simm.s32 $0xB00;
	[smem:$0x7ED] =	sst s16  }
0x29: {  	s18 =	simm.s32 $0x380;
	s19 =	simm.s32 $0xB80;
	[smem:$0x7EE] =	sst s17  }
0x2a: {  	s20 =	simm.s32 $0x1;
	s22 =	simm.s32 $0x400;
	[smem:$0x7EF] =	sst s18  }
0x2b: {  	s23 =	simm.s32 $0xC00;
	s29 =	simm.s32 $0x480;
	[smem:$0x7F0] =	sst s19  }
0x2c: {  	s31 =	simm.s32 $0xC80;
	s9 =	simm.s32 $0x9;
	[smem:$0x7F1] =	sst s22  }
0x2d: {  	s10 =	simm.s32 $0xA;
	s19 =	simm.s32 $0x2;
	[smem:$0x7F2] =	sst s23  }
0x2e: {  	s18 =	simm.s32 $0x5;
	s17 =	simm.s32 $0x3;
	[smem:$0x7F3] =	sst s29  }
0x2f: {  	[smem:$0x7F4] =	sst s31;
	s14 =	simm.s32 $0x6;
	s12 =	simm.s32 $0xD80  }
0x30: {  	s16 =	simm.s32 $0x600;
	s21 =	sadd.s32 $0xFFFFFFFF, s21;
	[smem:$0x7F8] =	sst s12  }
0x31: {  	s22 =	simm.s32 $0xE00;
	[smem:$0x7F9] =	sst s16;
	p2 =	sne.s32 s21, $0x0  }
.Ltmp0:
0x32: {  	s23 =	simm.s32 $0x680;
	[smem:$0x7FA] =	sst s22;
	(pc) =	sbr.rel @!p2 .LBB2_1-.Ltmp0, $4  }
0x33: {  	s13 =	simm.s32 $0x4;
	s29 =	simm.s32 $0xE80;
	[smem:$0x7FB] =	sst s23  }
0x34: {  	s15 =	simm.s32 $0x7;
	s31 =	simm.s32 $0x700;
	[smem:$0x7FC] =	sst s29  }
0x35: {  	s16 =	simm.s32 $0x8;
	s12 =	simm.s32 $0xC;
	[smem:$0x7FD] =	sst s31  }
0x36: {  	s22 =	simm.s32 $0xF00;
	s23 =	simm.s32 $0x780;
	s0 =	rddreg [dreg:$0x18]  }
0x37: {  	s31 =	rddreg [dreg:$0x5];
	s29 =	simm.s32 @!p0 $0x1C0D;
	s30 =	simm.s32 @!p0 $0xD  }
0x38: {  	[spmem:s0], [sflag:s29] =	dma.local @!p0 [hbm:s31], $0x1000  }
0x39: {  	_ =	swait.ge @!p0 [sflag:s30], $0x1000  }
0x3a: {  	[sflag:s30] =	ssyncset.done @!p0 $0x0  }
0x3b: {  	s0 =	rddreg [dreg:$0x6];
	[sflag:s30] =	ssyncadd.s32 @!p0 $0xFFFFF000  }
0x3c: {  	[spmem:s28], [sflag:s29] =	dma.local @!p0 [hbm:s0], $0x1000  }
0x3d: {  	_ =	swait.ge @!p0 [sflag:s30], $0x1000  }
0x3e: {  	[sflag:s30] =	ssyncset.done @!p0 $0x0  }
0x3f: {  	s0 =	rddreg [dreg:$0x7];
	[sflag:s30] =	ssyncadd.s32 @!p0 $0xFFFFF000  }
0x40: {  	[tilespmem:s1], [sflag:$0xD] =	stream.linear.gather [hbm4b:s0+s1], $0x800, $0x38;
	[tilespmem:$0x12000] =	vst v63  }
0x41: {  	_ =	swait.ge [sflag:s26], $0x800  }
0x42: {  	[sflag:s26] =	ssyncset.done $0x0  }
0x43: {  	s0 =	rddreg [dreg:$0x8];
	[sflag:s26] =	ssyncadd.s32 $0xFFFFF800  }
0x44: {  	[tilespmem:s25], [sflag:$0xD] =	stream.linear.gather [hbm4b:s0+s1], $0x800, $0x38;
	[tilespmem:$0x12000] =	vst v63  }
0x45: {  	_ =	swait.ge [sflag:s26], $0x800  }
0x46: {  	[sflag:s26] =	ssyncset.done $0x0  }
0x47: {  	[sflag:s26] =	ssyncadd.s32 $0xFFFFF800  }
0x48: {  	[bflag:$0x0] =	sbarrier.arrive $0xFFFF  }
0x49: {  	[tilespmem:s8], [sflag:$0x1] =	stream.indirect.gather [spmem:s3], $0x80, s1, s4, $0xb8;
	[tilespmem:$0x12000] =	vst v63  }
0x4a: {  	_ = 	snop  }
0x4b: {  	[tilespmem:s6], [sflag:$0x2] =	stream.indirect.gather [spmem:s3], $0x80, s4, s4, $0xb8;
	[tilespmem:$0x12000] =	vst v63  }
0x4c: {  	s0 =	rddreg [dreg:$0x19]  }
0x4d: {  	[tilespmem:s5], [sflag:$0x3] =	stream.indirect.gather [spmem:s3], $0x80, s0, s4, $0xb8;
	[tilespmem:$0x12000] =	vst v63  }
0x4e: {  	_ =	swait.ge [sflag:s20], $0x4000  }
0x4f: {  	[sflag:s20] =	ssyncset.done $0x0  }
0x50: {  	[sflag:s20] =	ssyncadd.s32 $0xFFFFC000  }
0x51: {  	[tilespmem:s8], [sflag:$0x5] =	stream.indirect.gather.add.f32 [spmem:s2], $0x80, s25, s4, $0xb8;
	[tilespmem:$0x12000] =	vst v63  }
0x52: {  	_ =	swait.ge [sflag:s19], $0x4000  }
0x53: {  	[sflag:s19] =	ssyncset.done $0x0  }
0x54: {  	s0 =	rddreg [dreg:$0x1a];
	[sflag:s19] =	ssyncadd.s32 $0xFFFFC000  }
0x55: {  	[tilespmem:s6], [sflag:$0x6] =	stream.indirect.gather.add.f32 [spmem:s2], $0x80, s0, s4, $0xb8;
	[tilespmem:$0x12000] =	vst v63  }
0x56: {  	_ =	swait.ge [sflag:s18], $0x4000  }
0x57: {  	[sflag:s18] =	ssyncset.done $0x0  }
0x58: {  	[sflag:s18] =	ssyncadd.s32 $0xFFFFC000  }
0x59: {  	[hbm4b:s24+s1] =	stream.linear.scatter [tilespmem:s8], [sflag:$0x9], $0x4000, $0x38;
	[tilespmem:$0x12000] =	vst v63  }
0x5a: {  	_ =	swait.ge [sflag:s17], $0x4000  }
0x5b: {  	[sflag:s17] =	ssyncset.done $0x0  }
0x5c: {  	s0 =	rddreg [dreg:$0x1b];
	[sflag:s17] =	ssyncadd.s32 $0xFFFFC000  }
0x5d: {  	[tilespmem:s5], [sflag:$0x7] =	stream.indirect.gather.add.f32 [spmem:s2], $0x80, s0, s4, $0xb8;
	[tilespmem:$0x12000] =	vst v63  }
0x5e: {  	s31 =	rddreg [dreg:$0x1c]  }
0x5f: {  	[tilespmem:s7], [sflag:$0x4] =	stream.indirect.gather [spmem:s3], $0x80, s31, s4, $0xb8;
	[tilespmem:$0x12000] =	vst v63  }
0x60: {  	_ =	swait.ge [sflag:s14], $0x4000  }
0x61: {  	[sflag:s14] =	ssyncset.done $0x0  }
0x62: {  	s0 =	rddreg [dreg:$0x9];
	[sflag:s14] =	ssyncadd.s32 $0xFFFFC000  }
0x63: {  	[hbm4b:s0+s1] =	stream.linear.scatter [tilespmem:s6], [sflag:$0xA], $0x4000, $0x38;
	[tilespmem:$0x12000] =	vst v63  }
0x64: {  	_ =	swait.ge [sflag:s13], $0x4000  }
0x65: {  	[sflag:s13] =	ssyncset.done $0x0  }
0x66: {  	s0 =	rddreg [dreg:$0x1d];
	[sflag:s13] =	ssyncadd.s32 $0xFFFFC000  }
0x67: {  	[tilespmem:s7], [sflag:$0x8] =	stream.indirect.gather.add.f32 [spmem:s2], $0x80, s0, s4, $0xb8;
	[tilespmem:$0x12000] =	vst v63  }
0x68: {  	_ =	swait.ge [sflag:s9], $0x4000  }
0x69: {  	[sflag:s9] =	ssyncset.done $0x0  }
0x6a: {  	s0 =	rddreg [dreg:$0x1e];
	[sflag:s9] =	ssyncadd.s32 $0xFFFFC000  }
0x6b: {  	[tilespmem:s8], [sflag:$0x1] =	stream.indirect.gather [spmem:s3], $0x80, s0, s4, $0xb8;
	[tilespmem:$0x12000] =	vst v63  }
0x6c: {  	_ =	swait.ge [sflag:s15], $0x4000  }
0x6d: {  	[sflag:s15] =	ssyncset.done $0x0  }
0x6e: {  	s0 =	rddreg [dreg:$0xa];
	[sflag:s15] =	ssyncadd.s32 $0xFFFFC000  }
0x6f: {  	[hbm4b:s0+s1] =	stream.linear.scatter [tilespmem:s5], [sflag:$0xB], $0x4000, $0x38;
	[tilespmem:$0x12000] =	vst v63  }
0x70: {  	_ =	swait.ge [sflag:s20], $0x4000  }
0x71: {  	[sflag:s20] =	ssyncset.done $0x0  }
0x72: {  	s0 =	rddreg [dreg:$0x1f];
	[sflag:s20] =	ssyncadd.s32 $0xFFFFC000  }
0x73: {  	[tilespmem:s8], [sflag:$0x5] =	stream.indirect.gather.add.f32 [spmem:s2], $0x80, s0, s4, $0xb8;
	[tilespmem:$0x12000] =	vst v63  }
0x74: {  	_ =	swait.ge [sflag:s10], $0x4000  }
0x75: {  	s0 =	sld [smem:$0x7EB]  }
0x76: {  	[sflag:s10] =	ssyncset.done $0x0  }
0x77: {  	[sflag:s10] =	ssyncadd.s32 $0xFFFFC000  }
0x78: {  	[tilespmem:s6], [sflag:$0x2] =	stream.indirect.gather [spmem:s3], $0x80, s0, s4, $0xb8;
	[tilespmem:$0x12000] =	vst v63  }
0x79: {  	_ =	swait.ge [sflag:s16], $0x4000  }
0x7a: {  	[sflag:s16] =	ssyncset.done $0x0  }
0x7b: {  	s0 =	rddreg [dreg:$0xb];
	[sflag:s16] =	ssyncadd.s32 $0xFFFFC000  }
0x7c: {  	[hbm4b:s0+s1] =	stream.linear.scatter [tilespmem:s7], [sflag:$0xC], $0x4000, $0x38;
	[tilespmem:$0x12000] =	vst v63  }
0x7d: {  	_ =	swait.ge [sflag:s19], $0x4000  }
0x7e: {  	s0 =	sld [smem:$0x7EC]  }
0x7f: {  	[sflag:s19] =	ssyncset.done $0x0  }
0x80: {  	[sflag:s19] =	ssyncadd.s32 $0xFFFFC000  }
0x81: {  	[tilespmem:s6], [sflag:$0x6] =	stream.indirect.gather.add.f32 [spmem:s2], $0x80, s0, s4, $0xb8;
	[tilespmem:$0x12000] =	vst v63  }
0x82: {  	_ =	swait.ge [sflag:s11], $0x4000  }
0x83: {  	s0 =	sld [smem:$0x7ED]  }
0x84: {  	[sflag:s11] =	ssyncset.done $0x0  }
0x85: {  	[sflag:s11] =	ssyncadd.s32 $0xFFFFC000  }
0x86: {  	[tilespmem:s5], [sflag:$0x3] =	stream.indirect.gather [spmem:s3], $0x80, s0, s4, $0xb8;
	[tilespmem:$0x12000] =	vst v63  }
0x87: {  	_ =	swait.ge [sflag:s18], $0x4000  }
0x88: {  	[sflag:s18] =	ssyncset.done $0x0  }
0x89: {  	s0 =	rddreg [dreg:$0xc];
	[sflag:s18] =	ssyncadd.s32 $0xFFFFC000  }
0x8a: {  	[hbm4b:s0+s1] =	stream.linear.scatter [tilespmem:s8], [sflag:$0x9], $0x4000, $0x38;
	[tilespmem:$0x12000] =	vst v63  }
0x8b: {  	_ =	swait.ge [sflag:s17], $0x4000  }
0x8c: {  	s0 =	sld [smem:$0x7EE]  }
0x8d: {  	[sflag:s17] =	ssyncset.done $0x0  }
0x8e: {  	[sflag:s17] =	ssyncadd.s32 $0xFFFFC000  }
0x8f: {  	[tilespmem:s5], [sflag:$0x7] =	stream.indirect.gather.add.f32 [spmem:s2], $0x80, s0, s4, $0xb8;
	[tilespmem:$0x12000] =	vst v63  }
0x90: {  	_ =	swait.ge [sflag:s12], $0x4000  }
0x91: {  	s0 =	sld [smem:$0x7EF]  }
0x92: {  	[sflag:s12] =	ssyncset.done $0x0  }
0x93: {  	[sflag:s12] =	ssyncadd.s32 $0xFFFFC000  }
0x94: {  	[tilespmem:s7], [sflag:$0x4] =	stream.indirect.gather [spmem:s3], $0x80, s0, s4, $0xb8;
	[tilespmem:$0x12000] =	vst v63  }
0x95: {  	_ =	swait.ge [sflag:s14], $0x4000  }
0x96: {  	[sflag:s14] =	ssyncset.done $0x0  }
0x97: {  	s0 =	rddreg [dreg:$0xd];
	[sflag:s14] =	ssyncadd.s32 $0xFFFFC000  }
0x98: {  	[hbm4b:s0+s1] =	stream.linear.scatter [tilespmem:s6], [sflag:$0xA], $0x4000, $0x38;
	[tilespmem:$0x12000] =	vst v63  }
0x99: {  	_ =	swait.ge [sflag:s13], $0x4000  }
0x9a: {  	s0 =	sld [smem:$0x7F0]  }
0x9b: {  	[sflag:s13] =	ssyncset.done $0x0  }
0x9c: {  	[sflag:s13] =	ssyncadd.s32 $0xFFFFC000  }
0x9d: {  	[tilespmem:s7], [sflag:$0x8] =	stream.indirect.gather.add.f32 [spmem:s2], $0x80, s0, s4, $0xb8;
	[tilespmem:$0x12000] =	vst v63  }
0x9e: {  	_ =	swait.ge [sflag:s9], $0x4000  }
0x9f: {  	s0 =	sld [smem:$0x7F1]  }
0xa0: {  	[sflag:s9] =	ssyncset.done $0x0  }
0xa1: {  	[sflag:s9] =	ssyncadd.s32 $0xFFFFC000  }
0xa2: {  	[tilespmem:s8], [sflag:$0x1] =	stream.indirect.gather [spmem:s3], $0x80, s0, s4, $0xb8;
	[tilespmem:$0x12000] =	vst v63  }
0xa3: {  	_ =	swait.ge [sflag:s15], $0x4000  }
0xa4: {  	[sflag:s15] =	ssyncset.done $0x0  }
0xa5: {  	s0 =	rddreg [dreg:$0xe];
	[sflag:s15] =	ssyncadd.s32 $0xFFFFC000  }
0xa6: {  	[hbm4b:s0+s1] =	stream.linear.scatter [tilespmem:s5], [sflag:$0xB], $0x4000, $0x38;
	[tilespmem:$0x12000] =	vst v63  }
0xa7: {  	_ =	swait.ge [sflag:s20], $0x4000  }
0xa8: {  	s0 =	sld [smem:$0x7F2]  }
0xa9: {  	[sflag:s20] =	ssyncset.done $0x0  }
0xaa: {  	[sflag:s20] =	ssyncadd.s32 $0xFFFFC000  }
0xab: {  	[tilespmem:s8], [sflag:$0x5] =	stream.indirect.gather.add.f32 [spmem:s2], $0x80, s0, s4, $0xb8;
	[tilespmem:$0x12000] =	vst v63  }
0xac: {  	_ =	swait.ge [sflag:s10], $0x4000  }
0xad: {  	s0 =	sld [smem:$0x7F3]  }
0xae: {  	[sflag:s10] =	ssyncset.done $0x0  }
0xaf: {  	[sflag:s10] =	ssyncadd.s32 $0xFFFFC000  }
0xb0: {  	[tilespmem:s6], [sflag:$0x2] =	stream.indirect.gather [spmem:s3], $0x80, s0, s4, $0xb8;
	[tilespmem:$0x12000] =	vst v63  }
0xb1: {  	_ =	swait.ge [sflag:s16], $0x4000  }
0xb2: {  	[sflag:s16] =	ssyncset.done $0x0  }
0xb3: {  	s0 =	rddreg [dreg:$0xf];
	[sflag:s16] =	ssyncadd.s32 $0xFFFFC000  }
0xb4: {  	[hbm4b:s0+s1] =	stream.linear.scatter [tilespmem:s7], [sflag:$0xC], $0x4000, $0x38;
	[tilespmem:$0x12000] =	vst v63  }
0xb5: {  	_ =	swait.ge [sflag:s19], $0x4000  }
0xb6: {  	s0 =	sld [smem:$0x7F4]  }
0xb7: {  	[sflag:s19] =	ssyncset.done $0x0  }
0xb8: {  	[sflag:s19] =	ssyncadd.s32 $0xFFFFC000  }
0xb9: {  	[tilespmem:s6], [sflag:$0x6] =	stream.indirect.gather.add.f32 [spmem:s2], $0x80, s0, s4, $0xb8;
	[tilespmem:$0x12000] =	vst v63  }
0xba: {  	_ =	swait.ge [sflag:s11], $0x4000  }
0xbb: {  	s0 =	sld [smem:$0x7F5]  }
0xbc: {  	[sflag:s11] =	ssyncset.done $0x0  }
0xbd: {  	[sflag:s11] =	ssyncadd.s32 $0xFFFFC000  }
0xbe: {  	[tilespmem:s5], [sflag:$0x3] =	stream.indirect.gather [spmem:s3], $0x80, s0, s4, $0xb8;
	[tilespmem:$0x12000] =	vst v63  }
0xbf: {  	_ =	swait.ge [sflag:s18], $0x4000  }
0xc0: {  	[sflag:s18] =	ssyncset.done $0x0  }
0xc1: {  	s0 =	rddreg [dreg:$0x10];
	[sflag:s18] =	ssyncadd.s32 $0xFFFFC000  }
0xc2: {  	[hbm4b:s0+s1] =	stream.linear.scatter [tilespmem:s8], [sflag:$0x9], $0x4000, $0x38;
	[tilespmem:$0x12000] =	vst v63  }
0xc3: {  	_ =	swait.ge [sflag:s17], $0x4000  }
0xc4: {  	s0 =	sld [smem:$0x7F6]  }
0xc5: {  	[sflag:s17] =	ssyncset.done $0x0  }
0xc6: {  	[sflag:s17] =	ssyncadd.s32 $0xFFFFC000  }
0xc7: {  	[tilespmem:s5], [sflag:$0x7] =	stream.indirect.gather.add.f32 [spmem:s2], $0x80, s0, s4, $0xb8;
	[tilespmem:$0x12000] =	vst v63  }
0xc8: {  	_ =	swait.ge [sflag:s12], $0x4000  }
0xc9: {  	s0 =	sld [smem:$0x7F7]  }
0xca: {  	[sflag:s12] =	ssyncset.done $0x0  }
0xcb: {  	[sflag:s12] =	ssyncadd.s32 $0xFFFFC000  }
0xcc: {  	[tilespmem:s7], [sflag:$0x4] =	stream.indirect.gather [spmem:s3], $0x80, s0, s4, $0xb8;
	[tilespmem:$0x12000] =	vst v63  }
0xcd: {  	_ =	swait.ge [sflag:s14], $0x4000  }
0xce: {  	[sflag:s14] =	ssyncset.done $0x0  }
0xcf: {  	s0 =	rddreg [dreg:$0x11];
	[sflag:s14] =	ssyncadd.s32 $0xFFFFC000  }
0xd0: {  	[hbm4b:s0+s1] =	stream.linear.scatter [tilespmem:s6], [sflag:$0xA], $0x4000, $0x38;
	[tilespmem:$0x12000] =	vst v63  }
0xd1: {  	_ =	swait.ge [sflag:s13], $0x4000  }
0xd2: {  	s0 =	sld [smem:$0x7F8]  }
0xd3: {  	[sflag:s13] =	ssyncset.done $0x0  }
0xd4: {  	[sflag:s13] =	ssyncadd.s32 $0xFFFFC000  }
0xd5: {  	[tilespmem:s7], [sflag:$0x8] =	stream.indirect.gather.add.f32 [spmem:s2], $0x80, s0, s4, $0xb8;
	[tilespmem:$0x12000] =	vst v63  }
0xd6: {  	_ =	swait.ge [sflag:s9], $0x4000  }
0xd7: {  	s0 =	sld [smem:$0x7F9]  }
0xd8: {  	[sflag:s9] =	ssyncset.done $0x0  }
0xd9: {  	[sflag:s9] =	ssyncadd.s32 $0xFFFFC000  }
0xda: {  	[tilespmem:s8], [sflag:$0x1] =	stream.indirect.gather [spmem:s3], $0x80, s0, s4, $0xb8;
	[tilespmem:$0x12000] =	vst v63  }
0xdb: {  	_ =	swait.ge [sflag:s15], $0x4000  }
0xdc: {  	[sflag:s15] =	ssyncset.done $0x0  }
0xdd: {  	s0 =	rddreg [dreg:$0x12];
	[sflag:s15] =	ssyncadd.s32 $0xFFFFC000  }
0xde: {  	[hbm4b:s0+s1] =	stream.linear.scatter [tilespmem:s5], [sflag:$0xB], $0x4000, $0x38;
	[tilespmem:$0x12000] =	vst v63  }
0xdf: {  	_ =	swait.ge [sflag:s20], $0x4000  }
0xe0: {  	s0 =	sld [smem:$0x7FA]  }
0xe1: {  	[sflag:s20] =	ssyncset.done $0x0  }
0xe2: {  	[sflag:s20] =	ssyncadd.s32 $0xFFFFC000  }
0xe3: {  	[tilespmem:s8], [sflag:$0x5] =	stream.indirect.gather.add.f32 [spmem:s2], $0x80, s0, s4, $0xb8;
	[tilespmem:$0x12000] =	vst v63  }
0xe4: {  	_ =	swait.ge [sflag:s10], $0x4000  }
0xe5: {  	s0 =	sld [smem:$0x7FB]  }
0xe6: {  	[sflag:s10] =	ssyncset.done $0x0  }
0xe7: {  	[sflag:s10] =	ssyncadd.s32 $0xFFFFC000  }
0xe8: {  	[tilespmem:s6], [sflag:$0x2] =	stream.indirect.gather [spmem:s3], $0x80, s0, s4, $0xb8;
	[tilespmem:$0x12000] =	vst v63  }
0xe9: {  	_ =	swait.ge [sflag:s16], $0x4000  }
0xea: {  	[sflag:s16] =	ssyncset.done $0x0  }
0xeb: {  	s0 =	rddreg [dreg:$0x13];
	[sflag:s16] =	ssyncadd.s32 $0xFFFFC000  }
0xec: {  	[hbm4b:s0+s1] =	stream.linear.scatter [tilespmem:s7], [sflag:$0xC], $0x4000, $0x38;
	[tilespmem:$0x12000] =	vst v63  }
0xed: {  	_ =	swait.ge [sflag:s19], $0x4000  }
0xee: {  	s0 =	sld [smem:$0x7FC]  }
0xef: {  	[sflag:s19] =	ssyncset.done $0x0  }
0xf0: {  	[sflag:s19] =	ssyncadd.s32 $0xFFFFC000  }
0xf1: {  	[tilespmem:s6], [sflag:$0x6] =	stream.indirect.gather.add.f32 [spmem:s2], $0x80, s0, s4, $0xb8;
	[tilespmem:$0x12000] =	vst v63  }
0xf2: {  	_ =	swait.ge [sflag:s11], $0x4000  }
0xf3: {  	s0 =	sld [smem:$0x7FD]  }
0xf4: {  	[sflag:s11] =	ssyncset.done $0x0  }
0xf5: {  	[sflag:s11] =	ssyncadd.s32 $0xFFFFC000  }
0xf6: {  	[tilespmem:s5], [sflag:$0x3] =	stream.indirect.gather [spmem:s3], $0x80, s0, s4, $0xb8;
	[tilespmem:$0x12000] =	vst v63  }
0xf7: {  	_ =	swait.ge [sflag:s18], $0x4000  }
0xf8: {  	[sflag:s18] =	ssyncset.done $0x0  }
0xf9: {  	s0 =	rddreg [dreg:$0x14];
	[sflag:s18] =	ssyncadd.s32 $0xFFFFC000  }
0xfa: {  	[hbm4b:s0+s1] =	stream.linear.scatter [tilespmem:s8], [sflag:$0x9], $0x4000, $0x38;
	[tilespmem:$0x12000] =	vst v63  }
0xfb: {  	_ =	swait.ge [sflag:s17], $0x4000  }
0xfc: {  	[sflag:s17] =	ssyncset.done $0x0  }
0xfd: {  	[sflag:s17] =	ssyncadd.s32 $0xFFFFC000  }
0xfe: {  	[tilespmem:s5], [sflag:$0x7] =	stream.indirect.gather.add.f32 [spmem:s2], $0x80, s22, s4, $0xb8;
	[tilespmem:$0x12000] =	vst v63  }
0xff: {  	_ =	swait.ge [sflag:s12], $0x4000  }
0x100: {  	[sflag:s12] =	ssyncset.done $0x0  }
0x101: {  	[sflag:s12] =	ssyncadd.s32 $0xFFFFC000  }
0x102: {  	[tilespmem:s7], [sflag:$0x4] =	stream.indirect.gather [spmem:s3], $0x80, s23, s4, $0xb8;
	[tilespmem:$0x12000] =	vst v63  }
0x103: {  	_ =	swait.ge [sflag:s14], $0x4000  }
0x104: {  	[sflag:s14] =	ssyncset.done $0x0  }
0x105: {  	s0 =	rddreg [dreg:$0x15];
	[sflag:s14] =	ssyncadd.s32 $0xFFFFC000  }
0x106: {  	[hbm4b:s0+s1] =	stream.linear.scatter [tilespmem:s6], [sflag:$0xA], $0x4000, $0x38;
	[tilespmem:$0x12000] =	vst v63  }
0x107: {  	_ =	swait.ge [sflag:s13], $0x4000  }
0x108: {  	[sflag:s13] =	ssyncset.done $0x0  }
0x109: {  	s0 =	simm.s32 $0xF80;
	[sflag:s13] =	ssyncadd.s32 $0xFFFFC000  }
0x10a: {  	[tilespmem:s7], [sflag:$0x8] =	stream.indirect.gather.add.f32 [spmem:s2], $0x80, s0, s4, $0xb8;
	[tilespmem:$0x12000] =	vst v63  }
0x10b: {  	_ =	swait.ge [sflag:s15], $0x4000  }
0x10c: {  	[sflag:s15] =	ssyncset.done $0x0  }
0x10d: {  	s0 =	rddreg [dreg:$0x16];
	[sflag:s15] =	ssyncadd.s32 $0xFFFFC000  }
0x10e: {  	[hbm4b:s0+s1] =	stream.linear.scatter [tilespmem:s5], [sflag:$0xB], $0x4000, $0x38;
	[tilespmem:$0x12000] =	vst v63  }
0x10f: {  	_ =	swait.ge [sflag:s16], $0x4000  }
0x110: {  	[sflag:s16] =	ssyncset.done $0x0  }
0x111: {  	s0 =	rddreg [dreg:$0x17];
	[sflag:s16] =	ssyncadd.s32 $0xFFFFC000  }
0x112: {  	[hbm4b:s0+s1] =	stream.linear.scatter [tilespmem:s7], [sflag:$0xC], $0x4000, $0x38;
	[tilespmem:$0x12000] =	vst v63  }
0x113: {  	_ =	swait.ge [sflag:s9], $0x4000  }
0x114: {  	[sflag:s9] =	ssyncset.done $0x0  }
0x115: {  	[sflag:s9] =	ssyncadd.s32 $0xFFFFC000  }
0x116: {  	_ =	swait.ge [sflag:s10], $0x4000  }
0x117: {  	s31 =	sadd.s32 $0xFFFFFFFF, s21;
	[sflag:s10] =	ssyncset.done $0x0  }
0x118: {  	p2 =	sne.s32 s31, $0x0;
	[sflag:s10] =	ssyncadd.s32 $0xFFFFC000  }
.Ltmp1:
0x119: {  	_ =	swait.ge [sflag:s11], $0x4000;
	(pc) =	sbr.rel @!p2 .LBB2_3-.Ltmp1, $4  }
0x11a: {  	[sflag:s11] =	ssyncset.done $0x0  }
0x11b: {  	[sflag:s11] =	ssyncadd.s32 $0xFFFFC000  }
0x11c: {  	_ =	swait.ge [sflag:s12], $0x4000  }
0x11d: {  	p1 =	por $0x1, $0x1;
	s0 =	rddreg [dreg:$0x18];
	[sflag:s12] =	ssyncset.done $0x0  }
.LBB2_4:
0x11e: {  	s21 =	rddreg [dreg:$0x5];
	[sflag:s12] =	ssyncadd.s32 $0xFFFFC000  }
0x11f: {  	[spmem:s0], [sflag:s29] =	dma.local @!p0 [hbm:s21], $0x1000  }
0x120: {  	_ =	swait.ge @!p0 [sflag:s30], $0x1000  }
0x121: {  	[sflag:s30] =	ssyncset.done @!p0 $0x0  }
0x122: {  	s0 =	rddreg [dreg:$0x6];
	[sflag:s30] =	ssyncadd.s32 @!p0 $0xFFFFF000  }
0x123: {  	[spmem:s28], [sflag:s29] =	dma.local @!p0 [hbm:s0], $0x1000  }
0x124: {  	_ =	swait.ge @!p0 [sflag:s30], $0x1000  }
0x125: {  	[sflag:s30] =	ssyncset.done @!p0 $0x0  }
0x126: {  	s21 =	rddreg [dreg:$0x7];
	[sflag:s30] =	ssyncadd.s32 @!p0 $0xFFFFF000  }
0x127: {  	[tilespmem:s1], [sflag:$0xD] =	stream.linear.gather [hbm4b:s21+s1], $0x800, $0x38;
	[tilespmem:$0x12000] =	vst v63  }
0x128: {  	_ =	swait.ge [sflag:s26], $0x800  }
0x129: {  	[sflag:s26] =	ssyncset.done $0x0  }
0x12a: {  	s21 =	rddreg [dreg:$0x8];
	[sflag:s26] =	ssyncadd.s32 $0xFFFFF800  }
0x12b: {  	[tilespmem:s25], [sflag:$0xD] =	stream.linear.gather [hbm4b:s21+s1], $0x800, $0x38;
	[tilespmem:$0x12000] =	vst v63  }
0x12c: {  	_ =	swait.ge [sflag:s26], $0x800  }
0x12d: {  	[sflag:s26] =	ssyncset.done $0x0  }
0x12e: {  	[sflag:s26] =	ssyncadd.s32 $0xFFFFF800  }
0x12f: {  	[bflag:$0x0] =	sbarrier.arrive $0xFFFF  }
0x130: {  	[tilespmem:s8], [sflag:$0x1] =	stream.indirect.gather [spmem:s3], $0x80, s1, s4, $0xb8;
	[tilespmem:$0x12000] =	vst v63  }
0x131: {  	_ = 	snop  }
0x132: {  	[tilespmem:s6], [sflag:$0x2] =	stream.indirect.gather [spmem:s3], $0x80, s4, s4, $0xb8;
	[tilespmem:$0x12000] =	vst v63  }
0x133: {  	s21 =	rddreg [dreg:$0x19]  }
0x134: {  	[tilespmem:s5], [sflag:$0x3] =	stream.indirect.gather [spmem:s3], $0x80, s21, s4, $0xb8;
	[tilespmem:$0x12000] =	vst v63  }
0x135: {  	_ =	swait.ge [sflag:s20], $0x4000  }
0x136: {  	[sflag:s20] =	ssyncset.done $0x0  }
0x137: {  	[sflag:s20] =	ssyncadd.s32 $0xFFFFC000  }
0x138: {  	[tilespmem:s8], [sflag:$0x5] =	stream.indirect.gather.add.f32 [spmem:s2], $0x80, s25, s4, $0xb8;
	[tilespmem:$0x12000] =	vst v63  }
0x139: {  	_ =	swait.ge [sflag:s19], $0x4000  }
0x13a: {  	[sflag:s19] =	ssyncset.done $0x0  }
0x13b: {  	s21 =	rddreg [dreg:$0x1a];
	[sflag:s19] =	ssyncadd.s32 $0xFFFFC000  }
0x13c: {  	[tilespmem:s6], [sflag:$0x6] =	stream.indirect.gather.add.f32 [spmem:s2], $0x80, s21, s4, $0xb8;
	[tilespmem:$0x12000] =	vst v63  }
0x13d: {  	_ =	swait.ge [sflag:s18], $0x4000  }
0x13e: {  	[sflag:s18] =	ssyncset.done $0x0  }
0x13f: {  	[sflag:s18] =	ssyncadd.s32 $0xFFFFC000  }
0x140: {  	[hbm4b:s24+s1] =	stream.linear.scatter [tilespmem:s8], [sflag:$0x9], $0x4000, $0x38;
	[tilespmem:$0x12000] =	vst v63  }
0x141: {  	_ =	swait.ge [sflag:s17], $0x4000  }
0x142: {  	[sflag:s17] =	ssyncset.done $0x0  }
0x143: {  	s0 =	rddreg [dreg:$0x1b];
	[sflag:s17] =	ssyncadd.s32 $0xFFFFC000  }
0x144: {  	[tilespmem:s5], [sflag:$0x7] =	stream.indirect.gather.add.f32 [spmem:s2], $0x80, s0, s4, $0xb8;
	[tilespmem:$0x12000] =	vst v63  }
0x145: {  	s21 =	rddreg [dreg:$0x1c]  }
0x146: {  	[tilespmem:s7], [sflag:$0x4] =	stream.indirect.gather [spmem:s3], $0x80, s21, s4, $0xb8;
	[tilespmem:$0x12000] =	vst v63  }
0x147: {  	_ =	swait.ge [sflag:s14], $0x4000  }
0x148: {  	[sflag:s14] =	ssyncset.done $0x0  }
0x149: {  	s0 =	rddreg [dreg:$0x9];
	[sflag:s14] =	ssyncadd.s32 $0xFFFFC000  }
0x14a: {  	[hbm4b:s0+s1] =	stream.linear.scatter [tilespmem:s6], [sflag:$0xA], $0x4000, $0x38;
	[tilespmem:$0x12000] =	vst v63  }
0x14b: {  	_ =	swait.ge [sflag:s13], $0x4000  }
0x14c: {  	[sflag:s13] =	ssyncset.done $0x0  }
0x14d: {  	s0 =	rddreg [dreg:$0x1d];
	[sflag:s13] =	ssyncadd.s32 $0xFFFFC000  }
0x14e: {  	[tilespmem:s7], [sflag:$0x8] =	stream.indirect.gather.add.f32 [spmem:s2], $0x80, s0, s4, $0xb8;
	[tilespmem:$0x12000] =	vst v63  }
0x14f: {  	_ =	swait.ge [sflag:s9], $0x4000  }
0x150: {  	[sflag:s9] =	ssyncset.done $0x0  }
0x151: {  	s0 =	rddreg [dreg:$0x1e];
	[sflag:s9] =	ssyncadd.s32 $0xFFFFC000  }
0x152: {  	[tilespmem:s8], [sflag:$0x1] =	stream.indirect.gather [spmem:s3], $0x80, s0, s4, $0xb8;
	[tilespmem:$0x12000] =	vst v63  }
0x153: {  	_ =	swait.ge [sflag:s15], $0x4000  }
0x154: {  	[sflag:s15] =	ssyncset.done $0x0  }
0x155: {  	s0 =	rddreg [dreg:$0xa];
	[sflag:s15] =	ssyncadd.s32 $0xFFFFC000  }
0x156: {  	[hbm4b:s0+s1] =	stream.linear.scatter [tilespmem:s5], [sflag:$0xB], $0x4000, $0x38;
	[tilespmem:$0x12000] =	vst v63  }
0x157: {  	_ =	swait.ge [sflag:s20], $0x4000  }
0x158: {  	[sflag:s20] =	ssyncset.done $0x0  }
0x159: {  	s0 =	rddreg [dreg:$0x1f];
	[sflag:s20] =	ssyncadd.s32 $0xFFFFC000  }
0x15a: {  	[tilespmem:s8], [sflag:$0x5] =	stream.indirect.gather.add.f32 [spmem:s2], $0x80, s0, s4, $0xb8;
	[tilespmem:$0x12000] =	vst v63  }
0x15b: {  	_ =	swait.ge [sflag:s10], $0x4000  }
0x15c: {  	s0 =	sld [smem:$0x7EB]  }
0x15d: {  	[sflag:s10] =	ssyncset.done $0x0  }
0x15e: {  	[sflag:s10] =	ssyncadd.s32 $0xFFFFC000  }
0x15f: {  	[tilespmem:s6], [sflag:$0x2] =	stream.indirect.gather [spmem:s3], $0x80, s0, s4, $0xb8;
	[tilespmem:$0x12000] =	vst v63  }
0x160: {  	_ =	swait.ge [sflag:s16], $0x4000  }
0x161: {  	[sflag:s16] =	ssyncset.done $0x0  }
0x162: {  	s0 =	rddreg [dreg:$0xb];
	[sflag:s16] =	ssyncadd.s32 $0xFFFFC000  }
0x163: {  	[hbm4b:s0+s1] =	stream.linear.scatter [tilespmem:s7], [sflag:$0xC], $0x4000, $0x38;
	[tilespmem:$0x12000] =	vst v63  }
0x164: {  	_ =	swait.ge [sflag:s19], $0x4000  }
0x165: {  	s0 =	sld [smem:$0x7EC]  }
0x166: {  	[sflag:s19] =	ssyncset.done $0x0  }
0x167: {  	[sflag:s19] =	ssyncadd.s32 $0xFFFFC000  }
0x168: {  	[tilespmem:s6], [sflag:$0x6] =	stream.indirect.gather.add.f32 [spmem:s2], $0x80, s0, s4, $0xb8;
	[tilespmem:$0x12000] =	vst v63  }
0x169: {  	_ =	swait.ge [sflag:s11], $0x4000  }
0x16a: {  	s0 =	sld [smem:$0x7ED]  }
0x16b: {  	[sflag:s11] =	ssyncset.done $0x0  }
0x16c: {  	[sflag:s11] =	ssyncadd.s32 $0xFFFFC000  }
0x16d: {  	[tilespmem:s5], [sflag:$0x3] =	stream.indirect.gather [spmem:s3], $0x80, s0, s4, $0xb8;
	[tilespmem:$0x12000] =	vst v63  }
0x16e: {  	_ =	swait.ge [sflag:s18], $0x4000  }
0x16f: {  	[sflag:s18] =	ssyncset.done $0x0  }
0x170: {  	s0 =	rddreg [dreg:$0xc];
	[sflag:s18] =	ssyncadd.s32 $0xFFFFC000  }
0x171: {  	[hbm4b:s0+s1] =	stream.linear.scatter [tilespmem:s8], [sflag:$0x9], $0x4000, $0x38;
	[tilespmem:$0x12000] =	vst v63  }
0x172: {  	_ =	swait.ge [sflag:s17], $0x4000  }
0x173: {  	s0 =	sld [smem:$0x7EE]  }
0x174: {  	[sflag:s17] =	ssyncset.done $0x0  }
0x175: {  	[sflag:s17] =	ssyncadd.s32 $0xFFFFC000  }
0x176: {  	[tilespmem:s5], [sflag:$0x7] =	stream.indirect.gather.add.f32 [spmem:s2], $0x80, s0, s4, $0xb8;
	[tilespmem:$0x12000] =	vst v63  }
0x177: {  	_ =	swait.ge [sflag:s12], $0x4000  }
0x178: {  	s0 =	sld [smem:$0x7EF]  }
0x179: {  	[sflag:s12] =	ssyncset.done $0x0  }
0x17a: {  	[sflag:s12] =	ssyncadd.s32 $0xFFFFC000  }
0x17b: {  	[tilespmem:s7], [sflag:$0x4] =	stream.indirect.gather [spmem:s3], $0x80, s0, s4, $0xb8;
	[tilespmem:$0x12000] =	vst v63  }
0x17c: {  	_ =	swait.ge [sflag:s14], $0x4000  }
0x17d: {  	[sflag:s14] =	ssyncset.done $0x0  }
0x17e: {  	s0 =	rddreg [dreg:$0xd];
	[sflag:s14] =	ssyncadd.s32 $0xFFFFC000  }
0x17f: {  	[hbm4b:s0+s1] =	stream.linear.scatter [tilespmem:s6], [sflag:$0xA], $0x4000, $0x38;
	[tilespmem:$0x12000] =	vst v63  }
0x180: {  	_ =	swait.ge [sflag:s13], $0x4000  }
0x181: {  	s0 =	sld [smem:$0x7F0]  }
0x182: {  	[sflag:s13] =	ssyncset.done $0x0  }
0x183: {  	[sflag:s13] =	ssyncadd.s32 $0xFFFFC000  }
0x184: {  	[tilespmem:s7], [sflag:$0x8] =	stream.indirect.gather.add.f32 [spmem:s2], $0x80, s0, s4, $0xb8;
	[tilespmem:$0x12000] =	vst v63  }
0x185: {  	_ =	swait.ge [sflag:s9], $0x4000  }
0x186: {  	s0 =	sld [smem:$0x7F1]  }
0x187: {  	[sflag:s9] =	ssyncset.done $0x0  }
0x188: {  	[sflag:s9] =	ssyncadd.s32 $0xFFFFC000  }
0x189: {  	[tilespmem:s8], [sflag:$0x1] =	stream.indirect.gather [spmem:s3], $0x80, s0, s4, $0xb8;
	[tilespmem:$0x12000] =	vst v63  }
0x18a: {  	_ =	swait.ge [sflag:s15], $0x4000  }
0x18b: {  	[sflag:s15] =	ssyncset.done $0x0  }
0x18c: {  	s0 =	rddreg [dreg:$0xe];
	[sflag:s15] =	ssyncadd.s32 $0xFFFFC000  }
0x18d: {  	[hbm4b:s0+s1] =	stream.linear.scatter [tilespmem:s5], [sflag:$0xB], $0x4000, $0x38;
	[tilespmem:$0x12000] =	vst v63  }
0x18e: {  	_ =	swait.ge [sflag:s20], $0x4000  }
0x18f: {  	s0 =	sld [smem:$0x7F2]  }
0x190: {  	[sflag:s20] =	ssyncset.done $0x0  }
0x191: {  	[sflag:s20] =	ssyncadd.s32 $0xFFFFC000  }
0x192: {  	[tilespmem:s8], [sflag:$0x5] =	stream.indirect.gather.add.f32 [spmem:s2], $0x80, s0, s4, $0xb8;
	[tilespmem:$0x12000] =	vst v63  }
0x193: {  	_ =	swait.ge [sflag:s10], $0x4000  }
0x194: {  	s0 =	sld [smem:$0x7F3]  }
0x195: {  	[sflag:s10] =	ssyncset.done $0x0  }
0x196: {  	[sflag:s10] =	ssyncadd.s32 $0xFFFFC000  }
0x197: {  	[tilespmem:s6], [sflag:$0x2] =	stream.indirect.gather [spmem:s3], $0x80, s0, s4, $0xb8;
	[tilespmem:$0x12000] =	vst v63  }
0x198: {  	_ =	swait.ge [sflag:s16], $0x4000  }
0x199: {  	[sflag:s16] =	ssyncset.done $0x0  }
0x19a: {  	s0 =	rddreg [dreg:$0xf];
	[sflag:s16] =	ssyncadd.s32 $0xFFFFC000  }
0x19b: {  	[hbm4b:s0+s1] =	stream.linear.scatter [tilespmem:s7], [sflag:$0xC], $0x4000, $0x38;
	[tilespmem:$0x12000] =	vst v63  }
0x19c: {  	_ =	swait.ge [sflag:s19], $0x4000  }
0x19d: {  	s0 =	sld [smem:$0x7F4]  }
0x19e: {  	[sflag:s19] =	ssyncset.done $0x0  }
0x19f: {  	[sflag:s19] =	ssyncadd.s32 $0xFFFFC000  }
0x1a0: {  	[tilespmem:s6], [sflag:$0x6] =	stream.indirect.gather.add.f32 [spmem:s2], $0x80, s0, s4, $0xb8;
	[tilespmem:$0x12000] =	vst v63  }
0x1a1: {  	_ =	swait.ge [sflag:s11], $0x4000  }
0x1a2: {  	s0 =	sld [smem:$0x7F5]  }
0x1a3: {  	[sflag:s11] =	ssyncset.done $0x0  }
0x1a4: {  	[sflag:s11] =	ssyncadd.s32 $0xFFFFC000  }
0x1a5: {  	[tilespmem:s5], [sflag:$0x3] =	stream.indirect.gather [spmem:s3], $0x80, s0, s4, $0xb8;
	[tilespmem:$0x12000] =	vst v63  }
0x1a6: {  	_ =	swait.ge [sflag:s18], $0x4000  }
0x1a7: {  	[sflag:s18] =	ssyncset.done $0x0  }
0x1a8: {  	s0 =	rddreg [dreg:$0x10];
	[sflag:s18] =	ssyncadd.s32 $0xFFFFC000  }
0x1a9: {  	[hbm4b:s0+s1] =	stream.linear.scatter [tilespmem:s8], [sflag:$0x9], $0x4000, $0x38;
	[tilespmem:$0x12000] =	vst v63  }
0x1aa: {  	_ =	swait.ge [sflag:s17], $0x4000  }
0x1ab: {  	s0 =	sld [smem:$0x7F6]  }
0x1ac: {  	[sflag:s17] =	ssyncset.done $0x0  }
0x1ad: {  	[sflag:s17] =	ssyncadd.s32 $0xFFFFC000  }
0x1ae: {  	[tilespmem:s5], [sflag:$0x7] =	stream.indirect.gather.add.f32 [spmem:s2], $0x80, s0, s4, $0xb8;
	[tilespmem:$0x12000] =	vst v63  }
0x1af: {  	_ =	swait.ge [sflag:s12], $0x4000  }
0x1b0: {  	s0 =	sld [smem:$0x7F7]  }
0x1b1: {  	[sflag:s12] =	ssyncset.done $0x0  }
0x1b2: {  	[sflag:s12] =	ssyncadd.s32 $0xFFFFC000  }
0x1b3: {  	[tilespmem:s7], [sflag:$0x4] =	stream.indirect.gather [spmem:s3], $0x80, s0, s4, $0xb8;
	[tilespmem:$0x12000] =	vst v63  }
0x1b4: {  	_ =	swait.ge [sflag:s14], $0x4000  }
0x1b5: {  	[sflag:s14] =	ssyncset.done $0x0  }
0x1b6: {  	s0 =	rddreg [dreg:$0x11];
	[sflag:s14] =	ssyncadd.s32 $0xFFFFC000  }
0x1b7: {  	[hbm4b:s0+s1] =	stream.linear.scatter [tilespmem:s6], [sflag:$0xA], $0x4000, $0x38;
	[tilespmem:$0x12000] =	vst v63  }
0x1b8: {  	_ =	swait.ge [sflag:s13], $0x4000  }
0x1b9: {  	s0 =	sld [smem:$0x7F8]  }
0x1ba: {  	[sflag:s13] =	ssyncset.done $0x0  }
0x1bb: {  	[sflag:s13] =	ssyncadd.s32 $0xFFFFC000  }
0x1bc: {  	[tilespmem:s7], [sflag:$0x8] =	stream.indirect.gather.add.f32 [spmem:s2], $0x80, s0, s4, $0xb8;
	[tilespmem:$0x12000] =	vst v63  }
0x1bd: {  	_ =	swait.ge [sflag:s9], $0x4000  }
0x1be: {  	s0 =	sld [smem:$0x7F9]  }
0x1bf: {  	[sflag:s9] =	ssyncset.done $0x0  }
0x1c0: {  	[sflag:s9] =	ssyncadd.s32 $0xFFFFC000  }
0x1c1: {  	[tilespmem:s8], [sflag:$0x1] =	stream.indirect.gather [spmem:s3], $0x80, s0, s4, $0xb8;
	[tilespmem:$0x12000] =	vst v63  }
0x1c2: {  	_ =	swait.ge [sflag:s15], $0x4000  }
0x1c3: {  	[sflag:s15] =	ssyncset.done $0x0  }
0x1c4: {  	s0 =	rddreg [dreg:$0x12];
	[sflag:s15] =	ssyncadd.s32 $0xFFFFC000  }
0x1c5: {  	[hbm4b:s0+s1] =	stream.linear.scatter [tilespmem:s5], [sflag:$0xB], $0x4000, $0x38;
	[tilespmem:$0x12000] =	vst v63  }
0x1c6: {  	_ =	swait.ge [sflag:s20], $0x4000  }
0x1c7: {  	s0 =	sld [smem:$0x7FA]  }
0x1c8: {  	[sflag:s20] =	ssyncset.done $0x0  }
0x1c9: {  	[sflag:s20] =	ssyncadd.s32 $0xFFFFC000  }
0x1ca: {  	[tilespmem:s8], [sflag:$0x5] =	stream.indirect.gather.add.f32 [spmem:s2], $0x80, s0, s4, $0xb8;
	[tilespmem:$0x12000] =	vst v63  }
0x1cb: {  	_ =	swait.ge [sflag:s10], $0x4000  }
0x1cc: {  	s0 =	sld [smem:$0x7FB]  }
0x1cd: {  	[sflag:s10] =	ssyncset.done $0x0  }
0x1ce: {  	[sflag:s10] =	ssyncadd.s32 $0xFFFFC000  }
0x1cf: {  	[tilespmem:s6], [sflag:$0x2] =	stream.indirect.gather [spmem:s3], $0x80, s0, s4, $0xb8;
	[tilespmem:$0x12000] =	vst v63  }
0x1d0: {  	_ =	swait.ge [sflag:s16], $0x4000  }
0x1d1: {  	[sflag:s16] =	ssyncset.done $0x0  }
0x1d2: {  	s0 =	rddreg [dreg:$0x13];
	[sflag:s16] =	ssyncadd.s32 $0xFFFFC000  }
0x1d3: {  	[hbm4b:s0+s1] =	stream.linear.scatter [tilespmem:s7], [sflag:$0xC], $0x4000, $0x38;
	[tilespmem:$0x12000] =	vst v63  }
0x1d4: {  	_ =	swait.ge [sflag:s19], $0x4000  }
0x1d5: {  	s0 =	sld [smem:$0x7FC]  }
0x1d6: {  	[sflag:s19] =	ssyncset.done $0x0  }
0x1d7: {  	[sflag:s19] =	ssyncadd.s32 $0xFFFFC000  }
0x1d8: {  	[tilespmem:s6], [sflag:$0x6] =	stream.indirect.gather.add.f32 [spmem:s2], $0x80, s0, s4, $0xb8;
	[tilespmem:$0x12000] =	vst v63  }
0x1d9: {  	_ =	swait.ge [sflag:s11], $0x4000  }
0x1da: {  	s0 =	sld [smem:$0x7FD]  }
0x1db: {  	[sflag:s11] =	ssyncset.done $0x0  }
0x1dc: {  	[sflag:s11] =	ssyncadd.s32 $0xFFFFC000  }
0x1dd: {  	[tilespmem:s5], [sflag:$0x3] =	stream.indirect.gather [spmem:s3], $0x80, s0, s4, $0xb8;
	[tilespmem:$0x12000] =	vst v63  }
0x1de: {  	_ =	swait.ge [sflag:s18], $0x4000  }
0x1df: {  	[sflag:s18] =	ssyncset.done $0x0  }
0x1e0: {  	s0 =	rddreg [dreg:$0x14];
	[sflag:s18] =	ssyncadd.s32 $0xFFFFC000  }
0x1e1: {  	[hbm4b:s0+s1] =	stream.linear.scatter [tilespmem:s8], [sflag:$0x9], $0x4000, $0x38;
	[tilespmem:$0x12000] =	vst v63  }
0x1e2: {  	_ =	swait.ge [sflag:s17], $0x4000  }
0x1e3: {  	[sflag:s17] =	ssyncset.done $0x0  }
0x1e4: {  	[sflag:s17] =	ssyncadd.s32 $0xFFFFC000  }
0x1e5: {  	[tilespmem:s5], [sflag:$0x7] =	stream.indirect.gather.add.f32 [spmem:s2], $0x80, s22, s4, $0xb8;
	[tilespmem:$0x12000] =	vst v63  }
0x1e6: {  	_ =	swait.ge [sflag:s12], $0x4000  }
0x1e7: {  	[sflag:s12] =	ssyncset.done $0x0  }
0x1e8: {  	[sflag:s12] =	ssyncadd.s32 $0xFFFFC000  }
0x1e9: {  	[tilespmem:s7], [sflag:$0x4] =	stream.indirect.gather [spmem:s3], $0x80, s23, s4, $0xb8;
	[tilespmem:$0x12000] =	vst v63  }
0x1ea: {  	_ =	swait.ge [sflag:s14], $0x4000  }
0x1eb: {  	[sflag:s14] =	ssyncset.done $0x0  }
0x1ec: {  	s0 =	rddreg [dreg:$0x15];
	[sflag:s14] =	ssyncadd.s32 $0xFFFFC000  }
0x1ed: {  	[hbm4b:s0+s1] =	stream.linear.scatter [tilespmem:s6], [sflag:$0xA], $0x4000, $0x38;
	[tilespmem:$0x12000] =	vst v63  }
0x1ee: {  	_ =	swait.ge [sflag:s13], $0x4000  }
0x1ef: {  	[sflag:s13] =	ssyncset.done $0x0  }
0x1f0: {  	s21 =	simm.s32 $0xF80;
	[sflag:s13] =	ssyncadd.s32 $0xFFFFC000  }
0x1f1: {  	[tilespmem:s7], [sflag:$0x8] =	stream.indirect.gather.add.f32 [spmem:s2], $0x80, s21, s4, $0xb8;
	[tilespmem:$0x12000] =	vst v63  }
0x1f2: {  	_ =	swait.ge [sflag:s15], $0x4000  }
0x1f3: {  	[sflag:s15] =	ssyncset.done $0x0  }
0x1f4: {  	s21 =	rddreg [dreg:$0x16];
	[sflag:s15] =	ssyncadd.s32 $0xFFFFC000  }
0x1f5: {  	[hbm4b:s21+s1] =	stream.linear.scatter [tilespmem:s5], [sflag:$0xB], $0x4000, $0x38;
	[tilespmem:$0x12000] =	vst v63  }
0x1f6: {  	_ =	swait.ge [sflag:s16], $0x4000  }
0x1f7: {  	[sflag:s16] =	ssyncset.done $0x0  }
0x1f8: {  	s21 =	rddreg [dreg:$0x17];
	[sflag:s16] =	ssyncadd.s32 $0xFFFFC000  }
0x1f9: {  	[hbm4b:s21+s1] =	stream.linear.scatter [tilespmem:s7], [sflag:$0xC], $0x4000, $0x38;
	[tilespmem:$0x12000] =	vst v63  }
0x1fa: {  	_ =	swait.ge [sflag:s9], $0x4000  }
0x1fb: {  	[sflag:s9] =	ssyncset.done $0x0  }
0x1fc: {  	[sflag:s9] =	ssyncadd.s32 $0xFFFFC000  }
0x1fd: {  	_ =	swait.ge [sflag:s10], $0x4000  }
0x1fe: {  	s31 =	sadd.s32 $0xFFFFFFFF, s31;
	[sflag:s10] =	ssyncset.done $0x0  }
0x1ff: {  	p2 =	sne.s32 s31, $0x0;
	[sflag:s10] =	ssyncadd.s32 $0xFFFFC000  }
.Ltmp2:
0x200: {  	_ =	swait.ge [sflag:s11], $0x4000;
	(pc) =	sbr.rel @p2 .LBB2_4-.Ltmp2, $4  }
0x201: {  	[sflag:s11] =	ssyncset.done $0x0  }
0x202: {  	[sflag:s11] =	ssyncadd.s32 $0xFFFFC000  }
0x203: {  	_ =	swait.ge [sflag:s12], $0x4000  }
0x204: {  	s0 =	rddreg [dreg:$0x18];
	[sflag:s12] =	ssyncset.done $0x0  }
0x205: {  	s31 =	simm.s32 $0xF80;
	s30 =	rddreg [dreg:$0x4]  }
.LBB2_6:
0x206: {  	s21 =	rddreg [dreg:$0x5];
	[sflag:s12] =	ssyncadd.s32 @p1 $0xFFFFC000;
	s29 =	simm.s32 @!p0 $0x1C0D  }
0x207: {  	[spmem:s0], [sflag:s29] =	dma.local @!p0 [hbm:s21], $0x1000  }
0x208: {  	s0 =	simm.s32 @!p0 $0xD  }
0x209: {  	_ =	swait.ge @!p0 [sflag:s0], $0x1000  }
0x20a: {  	[sflag:s0] =	ssyncset.done @!p0 $0x0  }
0x20b: {  	s21 =	rddreg [dreg:$0x6];
	[sflag:s0] =	ssyncadd.s32 @!p0 $0xFFFFF000  }
0x20c: {  	[spmem:s28], [sflag:s29] =	dma.local @!p0 [hbm:s21], $0x1000  }
0x20d: {  	_ =	swait.ge @!p0 [sflag:s0], $0x1000  }
0x20e: {  	[sflag:s0] =	ssyncset.done @!p0 $0x0  }
0x20f: {  	s28 =	rddreg [dreg:$0x7];
	[sflag:s0] =	ssyncadd.s32 @!p0 $0xFFFFF000  }
0x210: {  	[tilespmem:s1], [sflag:$0xD] =	stream.linear.gather [hbm4b:s28+s1], $0x800, $0x38;
	[tilespmem:$0x12000] =	vst v63  }
0x211: {  	_ =	swait.ge [sflag:s26], $0x800  }
0x212: {  	[sflag:s26] =	ssyncset.done $0x0  }
0x213: {  	s29 =	rddreg [dreg:$0x8];
	[sflag:s26] =	ssyncadd.s32 $0xFFFFF800  }
0x214: {  	[tilespmem:s25], [sflag:$0xD] =	stream.linear.gather [hbm4b:s29+s1], $0x800, $0x38;
	[tilespmem:$0x12000] =	vst v63  }
0x215: {  	_ =	swait.ge [sflag:s26], $0x800  }
0x216: {  	[sflag:s26] =	ssyncset.done $0x0  }
0x217: {  	[sflag:s26] =	ssyncadd.s32 $0xFFFFF800  }
0x218: {  	[bflag:$0x0] =	sbarrier.arrive $0xFFFF  }
0x219: {  	[tilespmem:s8], [sflag:$0x1] =	stream.indirect.gather [spmem:s3], $0x80, s1, s4, $0xb8;
	[tilespmem:$0x12000] =	vst v63  }
0x21a: {  	_ = 	snop  }
0x21b: {  	[tilespmem:s6], [sflag:$0x2] =	stream.indirect.gather [spmem:s3], $0x80, s4, s4, $0xb8;
	[tilespmem:$0x12000] =	vst v63  }
0x21c: {  	s21 =	rddreg [dreg:$0x19]  }
0x21d: {  	[tilespmem:s5], [sflag:$0x3] =	stream.indirect.gather [spmem:s3], $0x80, s21, s4, $0xb8;
	[tilespmem:$0x12000] =	vst v63  }
0x21e: {  	_ =	swait.ge [sflag:s20], $0x4000  }
0x21f: {  	[sflag:s20] =	ssyncset.done $0x0  }
0x220: {  	[sflag:s20] =	ssyncadd.s32 $0xFFFFC000  }
0x221: {  	[tilespmem:s8], [sflag:$0x5] =	stream.indirect.gather.add.f32 [spmem:s2], $0x80, s25, s4, $0xb8;
	[tilespmem:$0x12000] =	vst v63  }
0x222: {  	_ =	swait.ge [sflag:s19], $0x4000  }
0x223: {  	[sflag:s19] =	ssyncset.done $0x0  }
0x224: {  	s26 =	rddreg [dreg:$0x1a];
	[sflag:s19] =	ssyncadd.s32 $0xFFFFC000  }
0x225: {  	[tilespmem:s6], [sflag:$0x6] =	stream.indirect.gather.add.f32 [spmem:s2], $0x80, s26, s4, $0xb8;
	[tilespmem:$0x12000] =	vst v63  }
0x226: {  	_ =	swait.ge [sflag:s18], $0x4000  }
0x227: {  	[sflag:s18] =	ssyncset.done $0x0  }
0x228: {  	[sflag:s18] =	ssyncadd.s32 $0xFFFFC000  }
0x229: {  	[hbm4b:s24+s1] =	stream.linear.scatter [tilespmem:s8], [sflag:$0x9], $0x4000, $0x38;
	[tilespmem:$0x12000] =	vst v63  }
0x22a: {  	_ =	swait.ge [sflag:s17], $0x4000  }
0x22b: {  	[sflag:s17] =	ssyncset.done $0x0  }
0x22c: {  	s28 =	rddreg [dreg:$0x1b];
	[sflag:s17] =	ssyncadd.s32 $0xFFFFC000  }
0x22d: {  	[tilespmem:s5], [sflag:$0x7] =	stream.indirect.gather.add.f32 [spmem:s2], $0x80, s28, s4, $0xb8;
	[tilespmem:$0x12000] =	vst v63  }
0x22e: {  	s29 =	rddreg [dreg:$0x1c]  }
0x22f: {  	[tilespmem:s7], [sflag:$0x4] =	stream.indirect.gather [spmem:s3], $0x80, s29, s4, $0xb8;
	[tilespmem:$0x12000] =	vst v63  }
0x230: {  	_ =	swait.ge [sflag:s14], $0x4000  }
0x231: {  	[sflag:s14] =	ssyncset.done $0x0  }
0x232: {  	s24 =	rddreg [dreg:$0x9];
	[sflag:s14] =	ssyncadd.s32 $0xFFFFC000  }
0x233: {  	[hbm4b:s24+s1] =	stream.linear.scatter [tilespmem:s6], [sflag:$0xA], $0x4000, $0x38;
	[tilespmem:$0x12000] =	vst v63  }
0x234: {  	_ =	swait.ge [sflag:s13], $0x4000  }
0x235: {  	[sflag:s13] =	ssyncset.done $0x0  }
0x236: {  	s25 =	rddreg [dreg:$0x1d];
	[sflag:s13] =	ssyncadd.s32 $0xFFFFC000  }
0x237: {  	[tilespmem:s7], [sflag:$0x8] =	stream.indirect.gather.add.f32 [spmem:s2], $0x80, s25, s4, $0xb8;
	[tilespmem:$0x12000] =	vst v63  }
0x238: {  	_ =	swait.ge [sflag:s9], $0x4000  }
0x239: {  	[sflag:s9] =	ssyncset.done $0x0  }
0x23a: {  	s26 =	rddreg [dreg:$0x1e];
	[sflag:s9] =	ssyncadd.s32 $0xFFFFC000  }
0x23b: {  	[tilespmem:s8], [sflag:$0x1] =	stream.indirect.gather [spmem:s3], $0x80, s26, s4, $0xb8;
	[tilespmem:$0x12000] =	vst v63  }
0x23c: {  	_ =	swait.ge [sflag:s15], $0x4000  }
0x23d: {  	[sflag:s15] =	ssyncset.done $0x0  }
0x23e: {  	s28 =	rddreg [dreg:$0xa];
	[sflag:s15] =	ssyncadd.s32 $0xFFFFC000  }
0x23f: {  	[hbm4b:s28+s1] =	stream.linear.scatter [tilespmem:s5], [sflag:$0xB], $0x4000, $0x38;
	[tilespmem:$0x12000] =	vst v63  }
0x240: {  	_ =	swait.ge [sflag:s20], $0x4000  }
0x241: {  	[sflag:s20] =	ssyncset.done $0x0  }
0x242: {  	s29 =	rddreg [dreg:$0x1f];
	[sflag:s20] =	ssyncadd.s32 $0xFFFFC000  }
0x243: {  	[tilespmem:s8], [sflag:$0x5] =	stream.indirect.gather.add.f32 [spmem:s2], $0x80, s29, s4, $0xb8;
	[tilespmem:$0x12000] =	vst v63  }
0x244: {  	_ =	swait.ge [sflag:s10], $0x4000  }
0x245: {  	s21 =	sld [smem:$0x7EB]  }
0x246: {  	[sflag:s10] =	ssyncset.done $0x0  }
0x247: {  	[sflag:s10] =	ssyncadd.s32 $0xFFFFC000  }
0x248: {  	[tilespmem:s6], [sflag:$0x2] =	stream.indirect.gather [spmem:s3], $0x80, s21, s4, $0xb8;
	[tilespmem:$0x12000] =	vst v63  }
0x249: {  	_ =	swait.ge [sflag:s16], $0x4000  }
0x24a: {  	[sflag:s16] =	ssyncset.done $0x0  }
0x24b: {  	s24 =	rddreg [dreg:$0xb];
	[sflag:s16] =	ssyncadd.s32 $0xFFFFC000  }
0x24c: {  	[hbm4b:s24+s1] =	stream.linear.scatter [tilespmem:s7], [sflag:$0xC], $0x4000, $0x38;
	[tilespmem:$0x12000] =	vst v63  }
0x24d: {  	_ =	swait.ge [sflag:s19], $0x4000  }
0x24e: {  	s25 =	sld [smem:$0x7EC]  }
0x24f: {  	[sflag:s19] =	ssyncset.done $0x0  }
0x250: {  	[sflag:s19] =	ssyncadd.s32 $0xFFFFC000  }
0x251: {  	[tilespmem:s6], [sflag:$0x6] =	stream.indirect.gather.add.f32 [spmem:s2], $0x80, s25, s4, $0xb8;
	[tilespmem:$0x12000] =	vst v63  }
0x252: {  	_ =	swait.ge [sflag:s11], $0x4000  }
0x253: {  	s26 =	sld [smem:$0x7ED]  }
0x254: {  	[sflag:s11] =	ssyncset.done $0x0  }
0x255: {  	[sflag:s11] =	ssyncadd.s32 $0xFFFFC000  }
0x256: {  	[tilespmem:s5], [sflag:$0x3] =	stream.indirect.gather [spmem:s3], $0x80, s26, s4, $0xb8;
	[tilespmem:$0x12000] =	vst v63  }
0x257: {  	_ =	swait.ge [sflag:s18], $0x4000  }
0x258: {  	[sflag:s18] =	ssyncset.done $0x0  }
0x259: {  	s28 =	rddreg [dreg:$0xc];
	[sflag:s18] =	ssyncadd.s32 $0xFFFFC000  }
0x25a: {  	[hbm4b:s28+s1] =	stream.linear.scatter [tilespmem:s8], [sflag:$0x9], $0x4000, $0x38;
	[tilespmem:$0x12000] =	vst v63  }
0x25b: {  	_ =	swait.ge [sflag:s17], $0x4000  }
0x25c: {  	s29 =	sld [smem:$0x7EE]  }
0x25d: {  	[sflag:s17] =	ssyncset.done $0x0  }
0x25e: {  	[sflag:s17] =	ssyncadd.s32 $0xFFFFC000  }
0x25f: {  	[tilespmem:s5], [sflag:$0x7] =	stream.indirect.gather.add.f32 [spmem:s2], $0x80, s29, s4, $0xb8;
	[tilespmem:$0x12000] =	vst v63  }
0x260: {  	_ =	swait.ge [sflag:s12], $0x4000  }
0x261: {  	s21 =	sld [smem:$0x7EF]  }
0x262: {  	[sflag:s12] =	ssyncset.done $0x0  }
0x263: {  	[sflag:s12] =	ssyncadd.s32 $0xFFFFC000  }
0x264: {  	[tilespmem:s7], [sflag:$0x4] =	stream.indirect.gather [spmem:s3], $0x80, s21, s4, $0xb8;
	[tilespmem:$0x12000] =	vst v63  }
0x265: {  	_ =	swait.ge [sflag:s14], $0x4000  }
0x266: {  	[sflag:s14] =	ssyncset.done $0x0  }
0x267: {  	s24 =	rddreg [dreg:$0xd];
	[sflag:s14] =	ssyncadd.s32 $0xFFFFC000  }
0x268: {  	[hbm4b:s24+s1] =	stream.linear.scatter [tilespmem:s6], [sflag:$0xA], $0x4000, $0x38;
	[tilespmem:$0x12000] =	vst v63  }
0x269: {  	_ =	swait.ge [sflag:s13], $0x4000  }
0x26a: {  	s25 =	sld [smem:$0x7F0]  }
0x26b: {  	[sflag:s13] =	ssyncset.done $0x0  }
0x26c: {  	[sflag:s13] =	ssyncadd.s32 $0xFFFFC000  }
0x26d: {  	[tilespmem:s7], [sflag:$0x8] =	stream.indirect.gather.add.f32 [spmem:s2], $0x80, s25, s4, $0xb8;
	[tilespmem:$0x12000] =	vst v63  }
0x26e: {  	_ =	swait.ge [sflag:s9], $0x4000  }
0x26f: {  	s26 =	sld [smem:$0x7F1]  }
0x270: {  	[sflag:s9] =	ssyncset.done $0x0  }
0x271: {  	[sflag:s9] =	ssyncadd.s32 $0xFFFFC000  }
0x272: {  	[tilespmem:s8], [sflag:$0x1] =	stream.indirect.gather [spmem:s3], $0x80, s26, s4, $0xb8;
	[tilespmem:$0x12000] =	vst v63  }
0x273: {  	_ =	swait.ge [sflag:s15], $0x4000  }
0x274: {  	[sflag:s15] =	ssyncset.done $0x0  }
0x275: {  	s28 =	rddreg [dreg:$0xe];
	[sflag:s15] =	ssyncadd.s32 $0xFFFFC000  }
0x276: {  	[hbm4b:s28+s1] =	stream.linear.scatter [tilespmem:s5], [sflag:$0xB], $0x4000, $0x38;
	[tilespmem:$0x12000] =	vst v63  }
0x277: {  	_ =	swait.ge [sflag:s20], $0x4000  }
0x278: {  	s29 =	sld [smem:$0x7F2]  }
0x279: {  	[sflag:s20] =	ssyncset.done $0x0  }
0x27a: {  	[sflag:s20] =	ssyncadd.s32 $0xFFFFC000  }
0x27b: {  	[tilespmem:s8], [sflag:$0x5] =	stream.indirect.gather.add.f32 [spmem:s2], $0x80, s29, s4, $0xb8;
	[tilespmem:$0x12000] =	vst v63  }
0x27c: {  	_ =	swait.ge [sflag:s10], $0x4000  }
0x27d: {  	s21 =	sld [smem:$0x7F3]  }
0x27e: {  	[sflag:s10] =	ssyncset.done $0x0  }
0x27f: {  	[sflag:s10] =	ssyncadd.s32 $0xFFFFC000  }
0x280: {  	[tilespmem:s6], [sflag:$0x2] =	stream.indirect.gather [spmem:s3], $0x80, s21, s4, $0xb8;
	[tilespmem:$0x12000] =	vst v63  }
0x281: {  	_ =	swait.ge [sflag:s16], $0x4000  }
0x282: {  	[sflag:s16] =	ssyncset.done $0x0  }
0x283: {  	s24 =	rddreg [dreg:$0xf];
	[sflag:s16] =	ssyncadd.s32 $0xFFFFC000  }
0x284: {  	[hbm4b:s24+s1] =	stream.linear.scatter [tilespmem:s7], [sflag:$0xC], $0x4000, $0x38;
	[tilespmem:$0x12000] =	vst v63  }
0x285: {  	_ =	swait.ge [sflag:s19], $0x4000  }
0x286: {  	s25 =	sld [smem:$0x7F4]  }
0x287: {  	[sflag:s19] =	ssyncset.done $0x0  }
0x288: {  	[sflag:s19] =	ssyncadd.s32 $0xFFFFC000  }
0x289: {  	[tilespmem:s6], [sflag:$0x6] =	stream.indirect.gather.add.f32 [spmem:s2], $0x80, s25, s4, $0xb8;
	[tilespmem:$0x12000] =	vst v63  }
0x28a: {  	_ =	swait.ge [sflag:s11], $0x4000  }
0x28b: {  	s26 =	sld [smem:$0x7F5]  }
0x28c: {  	[sflag:s11] =	ssyncset.done $0x0  }
0x28d: {  	[sflag:s11] =	ssyncadd.s32 $0xFFFFC000  }
0x28e: {  	[tilespmem:s5], [sflag:$0x3] =	stream.indirect.gather [spmem:s3], $0x80, s26, s4, $0xb8;
	[tilespmem:$0x12000] =	vst v63  }
0x28f: {  	_ =	swait.ge [sflag:s18], $0x4000  }
0x290: {  	[sflag:s18] =	ssyncset.done $0x0  }
0x291: {  	s28 =	rddreg [dreg:$0x10];
	[sflag:s18] =	ssyncadd.s32 $0xFFFFC000  }
0x292: {  	[hbm4b:s28+s1] =	stream.linear.scatter [tilespmem:s8], [sflag:$0x9], $0x4000, $0x38;
	[tilespmem:$0x12000] =	vst v63  }
0x293: {  	_ =	swait.ge [sflag:s17], $0x4000  }
0x294: {  	s29 =	sld [smem:$0x7F6]  }
0x295: {  	[sflag:s17] =	ssyncset.done $0x0  }
0x296: {  	[sflag:s17] =	ssyncadd.s32 $0xFFFFC000  }
0x297: {  	[tilespmem:s5], [sflag:$0x7] =	stream.indirect.gather.add.f32 [spmem:s2], $0x80, s29, s4, $0xb8;
	[tilespmem:$0x12000] =	vst v63  }
0x298: {  	_ =	swait.ge [sflag:s12], $0x4000  }
0x299: {  	s21 =	sld [smem:$0x7F7]  }
0x29a: {  	[sflag:s12] =	ssyncset.done $0x0  }
0x29b: {  	[sflag:s12] =	ssyncadd.s32 $0xFFFFC000  }
0x29c: {  	[tilespmem:s7], [sflag:$0x4] =	stream.indirect.gather [spmem:s3], $0x80, s21, s4, $0xb8;
	[tilespmem:$0x12000] =	vst v63  }
0x29d: {  	_ =	swait.ge [sflag:s14], $0x4000  }
0x29e: {  	[sflag:s14] =	ssyncset.done $0x0  }
0x29f: {  	s24 =	rddreg [dreg:$0x11];
	[sflag:s14] =	ssyncadd.s32 $0xFFFFC000  }
0x2a0: {  	[hbm4b:s24+s1] =	stream.linear.scatter [tilespmem:s6], [sflag:$0xA], $0x4000, $0x38;
	[tilespmem:$0x12000] =	vst v63  }
0x2a1: {  	_ =	swait.ge [sflag:s13], $0x4000  }
0x2a2: {  	s25 =	sld [smem:$0x7F8]  }
0x2a3: {  	[sflag:s13] =	ssyncset.done $0x0  }
0x2a4: {  	[sflag:s13] =	ssyncadd.s32 $0xFFFFC000  }
0x2a5: {  	[tilespmem:s7], [sflag:$0x8] =	stream.indirect.gather.add.f32 [spmem:s2], $0x80, s25, s4, $0xb8;
	[tilespmem:$0x12000] =	vst v63  }
0x2a6: {  	_ =	swait.ge [sflag:s9], $0x4000  }
0x2a7: {  	s26 =	sld [smem:$0x7F9]  }
0x2a8: {  	[sflag:s9] =	ssyncset.done $0x0  }
0x2a9: {  	[sflag:s9] =	ssyncadd.s32 $0xFFFFC000  }
0x2aa: {  	[tilespmem:s8], [sflag:$0x1] =	stream.indirect.gather [spmem:s3], $0x80, s26, s4, $0xb8;
	[tilespmem:$0x12000] =	vst v63  }
0x2ab: {  	_ =	swait.ge [sflag:s15], $0x4000  }
0x2ac: {  	[sflag:s15] =	ssyncset.done $0x0  }
0x2ad: {  	s28 =	rddreg [dreg:$0x12];
	[sflag:s15] =	ssyncadd.s32 $0xFFFFC000  }
0x2ae: {  	[hbm4b:s28+s1] =	stream.linear.scatter [tilespmem:s5], [sflag:$0xB], $0x4000, $0x38;
	[tilespmem:$0x12000] =	vst v63  }
0x2af: {  	_ =	swait.ge [sflag:s20], $0x4000  }
0x2b0: {  	s29 =	sld [smem:$0x7FA]  }
0x2b1: {  	[sflag:s20] =	ssyncset.done $0x0  }
0x2b2: {  	[sflag:s20] =	ssyncadd.s32 $0xFFFFC000  }
0x2b3: {  	[tilespmem:s8], [sflag:$0x5] =	stream.indirect.gather.add.f32 [spmem:s2], $0x80, s29, s4, $0xb8;
	[tilespmem:$0x12000] =	vst v63  }
0x2b4: {  	_ =	swait.ge [sflag:s10], $0x4000  }
0x2b5: {  	s20 =	sld [smem:$0x7FB]  }
0x2b6: {  	[sflag:s10] =	ssyncset.done $0x0  }
0x2b7: {  	[sflag:s10] =	ssyncadd.s32 $0xFFFFC000  }
0x2b8: {  	[tilespmem:s6], [sflag:$0x2] =	stream.indirect.gather [spmem:s3], $0x80, s20, s4, $0xb8;
	[tilespmem:$0x12000] =	vst v63  }
0x2b9: {  	_ =	swait.ge [sflag:s16], $0x4000  }
0x2ba: {  	[sflag:s16] =	ssyncset.done $0x0  }
0x2bb: {  	s21 =	rddreg [dreg:$0x13];
	[sflag:s16] =	ssyncadd.s32 $0xFFFFC000  }
0x2bc: {  	[hbm4b:s21+s1] =	stream.linear.scatter [tilespmem:s7], [sflag:$0xC], $0x4000, $0x38;
	[tilespmem:$0x12000] =	vst v63  }
0x2bd: {  	_ =	swait.ge [sflag:s19], $0x4000  }
0x2be: {  	s24 =	sld [smem:$0x7FC]  }
0x2bf: {  	[sflag:s19] =	ssyncset.done $0x0  }
0x2c0: {  	[sflag:s19] =	ssyncadd.s32 $0xFFFFC000  }
0x2c1: {  	[tilespmem:s6], [sflag:$0x6] =	stream.indirect.gather.add.f32 [spmem:s2], $0x80, s24, s4, $0xb8;
	[tilespmem:$0x12000] =	vst v63  }
0x2c2: {  	_ =	swait.ge [sflag:s11], $0x4000  }
0x2c3: {  	s25 =	sld [smem:$0x7FD]  }
0x2c4: {  	[sflag:s11] =	ssyncset.done $0x0  }
0x2c5: {  	[sflag:s11] =	ssyncadd.s32 $0xFFFFC000  }
0x2c6: {  	[tilespmem:s5], [sflag:$0x3] =	stream.indirect.gather [spmem:s3], $0x80, s25, s4, $0xb8;
	[tilespmem:$0x12000] =	vst v63  }
0x2c7: {  	_ =	swait.ge [sflag:s18], $0x4000  }
0x2c8: {  	[sflag:s18] =	ssyncset.done $0x0  }
0x2c9: {  	s26 =	rddreg [dreg:$0x14];
	[sflag:s18] =	ssyncadd.s32 $0xFFFFC000  }
0x2ca: {  	[hbm4b:s26+s1] =	stream.linear.scatter [tilespmem:s8], [sflag:$0x9], $0x4000, $0x38;
	[tilespmem:$0x12000] =	vst v63  }
0x2cb: {  	_ =	swait.ge [sflag:s17], $0x4000  }
0x2cc: {  	[sflag:s17] =	ssyncset.done $0x0  }
0x2cd: {  	[sflag:s17] =	ssyncadd.s32 $0xFFFFC000  }
0x2ce: {  	[tilespmem:s5], [sflag:$0x7] =	stream.indirect.gather.add.f32 [spmem:s2], $0x80, s22, s4, $0xb8;
	[tilespmem:$0x12000] =	vst v63  }
0x2cf: {  	_ =	swait.ge [sflag:s12], $0x4000  }
0x2d0: {  	[sflag:s12] =	ssyncset.done $0x0  }
0x2d1: {  	[sflag:s12] =	ssyncadd.s32 $0xFFFFC000  }
0x2d2: {  	[tilespmem:s7], [sflag:$0x4] =	stream.indirect.gather [spmem:s3], $0x80, s23, s4, $0xb8;
	[tilespmem:$0x12000] =	vst v63  }
0x2d3: {  	_ =	swait.ge [sflag:s14], $0x4000  }
0x2d4: {  	[sflag:s14] =	ssyncset.done $0x0  }
0x2d5: {  	s28 =	rddreg [dreg:$0x15];
	[sflag:s14] =	ssyncadd.s32 $0xFFFFC000  }
0x2d6: {  	[hbm4b:s28+s1] =	stream.linear.scatter [tilespmem:s6], [sflag:$0xA], $0x4000, $0x38;
	[tilespmem:$0x12000] =	vst v63  }
0x2d7: {  	_ =	swait.ge [sflag:s13], $0x4000  }
0x2d8: {  	[sflag:s13] =	ssyncset.done $0x0  }
0x2d9: {  	[sflag:s13] =	ssyncadd.s32 $0xFFFFC000  }
0x2da: {  	[tilespmem:s7], [sflag:$0x8] =	stream.indirect.gather.add.f32 [spmem:s2], $0x80, s31, s4, $0xb8;
	[tilespmem:$0x12000] =	vst v63  }
0x2db: {  	_ =	swait.ge [sflag:s15], $0x4000  }
0x2dc: {  	[sflag:s15] =	ssyncset.done $0x0  }
0x2dd: {  	s29 =	rddreg [dreg:$0x16];
	[sflag:s15] =	ssyncadd.s32 $0xFFFFC000  }
0x2de: {  	[hbm4b:s29+s1] =	stream.linear.scatter [tilespmem:s5], [sflag:$0xB], $0x4000, $0x38;
	[tilespmem:$0x12000] =	vst v63  }
0x2df: {  	_ =	swait.ge [sflag:s16], $0x4000  }
0x2e0: {  	[sflag:s16] =	ssyncset.done $0x0  }
0x2e1: {  	s31 =	rddreg [dreg:$0x17];
	[sflag:s16] =	ssyncadd.s32 $0xFFFFC000  }
0x2e2: {  	[hbm4b:s31+s1] =	stream.linear.scatter [tilespmem:s7], [sflag:$0xC], $0x4000, $0x38;
	[tilespmem:$0x12000] =	vst v63  }
0x2e3: {  	_ =	swait.ge [sflag:s9], $0x4000  }
0x2e4: {  	[sflag:s9] =	ssyncset.done $0x0  }
0x2e5: {  	[sflag:s9] =	ssyncadd.s32 $0xFFFFC000  }
0x2e6: {  	_ =	swait.ge [sflag:s10], $0x4000  }
0x2e7: {  	[sflag:s10] =	ssyncset.done $0x0  }
0x2e8: {  	[sflag:s10] =	ssyncadd.s32 $0xFFFFC000  }
0x2e9: {  	_ =	swait.ge [sflag:s11], $0x4000  }
0x2ea: {  	[sflag:s11] =	ssyncset.done $0x0  }
0x2eb: {  	[sflag:s11] =	ssyncadd.s32 $0xFFFFC000  }
0x2ec: {  	_ =	swait.ge [sflag:s12], $0x4000  }
0x2ed: {  	[sflag:s12] =	ssyncset.done $0x0  }
0x2ee: {  	[sflag:s12] =	ssyncadd.s32 $0xFFFFC000  }
0x2ef: {  	_ =	sfence.sel $0x180000  }
0x2f0: {  	[bflag:$0x0] =	sbarrier.arrive $0xFFFF  }
0x2f1: {  	_ =	strace $0x90000047  }
0x2f2: {  	s0 =	sadd.s32 @!p0 $0x100000, s30;
	[bflag:$0x2] =	sbarrier.arrive $0xFFFF  }
0x2f3: {  	[sflag:s0] =	ssyncadd.tile.s32 @!p0 $0x1;
	_ =	shalt  }
.LBB2_1:
.Ltmp3:
0x2f4: {  	(pc) =	sbr.rel .LBB2_6-.Ltmp3, $2  }
0x2f5: {  	_ =	sdelay $0x2  }
0x2f6: {  	s31 =	simm.s32 $0xF80  }
.LBB2_3:
.Ltmp4:
0x2f7: {  	(pc) =	sbr.rel .LBB2_6-.Ltmp4, $2  }
0x2f8: {  	_ =	sdelay $0x2  }
0x2f9: {  	s31 =	simm.s32 $0xF80;
	s30 =	rddreg [dreg:$0x4]  }
.Lfunc_end2:
_tile_overlayer_lowered:
.L_overlay_start_2:
0x2fa: {  	(tag) =	ssettag $0x2  }
0x2fb: {  	s0 =	rddreg [dreg:$0x0];
	s2 =	stileid.u32  }
0x2fc: {  	s1 =	rddreg [dreg:$0x1];
	p0 =	sne.s32 s2, $0x0  }
0x2fd: {  	s3 =	rddreg [dreg:$0x2];
	[bflag:$0x3] =	sbarrier.arrive $0xFFFF;
	s2 =	simm.s32 @!p0 $0x1C0D  }
0x2fe: {  	[timem:s3], [sflag:s2] =	dma.local @!p0 [hbm:s0], s1  }
0x2ff: {  	s0 =	simm.s32 @!p0 $0xD  }
0x300: {  	_ =	swait.ge @!p0 [sflag:s0], s1  }
0x301: {  	s1 =	ssub.s32 @!p0 $0x0, s1;
	[sflag:s0] =	ssyncset.done @!p0 $0x0  }
0x302: {  	[sflag:s0] =	ssyncadd.s32 @!p0 s1  }
0x303: {  	[bflag:$0x3] =	sbarrier.arrive $0xFFFF  }
0x304: {  	_ =	shalt  }

</sc_bundles>
